<compile_context>
chip_gen: v7x
topology: tpu7x:2x2x1
jax: 0.10.2.dev20260603
libtpu: 0.0.44.dev20260713+nightly
codegen_flags: <defaults>
</compile_context>

<pallas_src>
import functools

import jax
import jax.numpy as jnp
from jax import lax
from jax.experimental import pallas as pl
from jax.experimental.pallas import tpu as pltpu
from jax.experimental.pallas import tpu_sc as plsc

D = 64
ND = D // 16
NC = 2
NS = 16
NW = NC * NS
C = 512
NG = 4
GSZ = C // NG
EPS = 1e-5
INTERPRET = False


def _invsqrt(v):
    yi = jnp.full((16,), 0x5F3759DF, jnp.int32) - jnp.right_shift(
        plsc.bitcast(v, jnp.int32), 1)
    y = plsc.bitcast(yi, jnp.float32)
    for _ in range(3):
        y = y * (1.5 - 0.5 * v * y * y)
    return y


def _body(x_hbm, seg_hbm, tok_hbm, pos_hbm, segtab_hbm, gam_hbm, bet_hbm,
          out_hbm, pos_v, segtab_v, gam_v, bet_v, idx_v, segc_v, rows_v, sem):
    n_tok, seq_len = x_hbm.shape[0], pos_hbm.shape[0]
    per_w = n_tok // NW
    nch = per_w // C
    wid = lax.axis_index("s") * NC + lax.axis_index("c")
    base = wid * per_w

    pltpu.sync_copy(pos_hbm, pos_v)
    pltpu.sync_copy(segtab_hbm, segtab_v)
    pltpu.sync_copy(gam_hbm, gam_v)
    pltpu.sync_copy(bet_hbm, bet_v)

    s0 = [segtab_v[0, pl.ds(16 * d, 16)] for d in range(ND)]
    sd = [segtab_v[1, pl.ds(16 * d, 16)] - s0[d] for d in range(ND)]
    gam = [gam_v[pl.ds(16 * d, 16)] for d in range(ND)]
    bet = [bet_v[pl.ds(16 * d, 16)] for d in range(ND)]

    def chunk(k, carry):
        off = base + k * C
        pltpu.sync_copy(x_hbm.at[pl.ds(off, C)], idx_v)
        pltpu.sync_copy(seg_hbm.at[pl.ds(off, C)], segc_v.at[pl.ds(0, C)])
        cps = [pltpu.async_copy(tok_hbm.at[idx_v.at[pl.ds(g * GSZ, GSZ)]],
                                rows_v.at[pl.ds(g * GSZ, GSZ)], sem)
               for g in range(NG)]
        for cp in cps:
            cp.wait()

        def token(j, carry2):
            l = lax.rem(off + j, seq_len)
            sf = jnp.full((16,), segc_v[pl.ds(j, 16)][0])
            e = []
            for d in range(ND):
                t = rows_v[j, pl.ds(16 * d, 16)]
                p = pos_v[l, pl.ds(16 * d, 16)]
                e.append(t + p + s0[d] + sf * sd[d])
            tot = jnp.sum((e[0] + e[1]) + (e[2] + e[3]))
            totq = jnp.sum((e[0] * e[0] + e[1] * e[1])
                           + (e[2] * e[2] + e[3] * e[3]))
            mean = tot * (1.0 / D)
            var = totq * (1.0 / D) - mean * mean
            mv = jnp.full((16,), mean)
            rstd = _invsqrt(jnp.full((16,), var + EPS))
            for d in range(ND):
                rows_v[j, pl.ds(16 * d, 16)] = (
                    (e[d] - mv) * rstd * gam[d] + bet[d])
            return carry2

        lax.fori_loop(0, C, token, 0)
        pltpu.sync_copy(rows_v, out_hbm.at[pl.ds(off, C)])
        return carry

    lax.fori_loop(0, nch, chunk, 0)


@jax.jit
def kernel(x, seg, tok_table, pos_table, seg_table, gamma, beta):
    b, l = x.shape
    n = b * l
    xf = x.reshape(n).astype(jnp.int32)
    segf = seg.reshape(n).astype(jnp.float32)
    run = pl.kernel(
        _body,
        out_type=jax.ShapeDtypeStruct((n, D), jnp.float32),
        mesh=plsc.VectorSubcoreMesh(core_axis_name="c", subcore_axis_name="s"),
        scratch_types=[
            pltpu.VMEM((l, D), jnp.float32),
            pltpu.VMEM((2, D), jnp.float32),
            pltpu.VMEM((D,), jnp.float32),
            pltpu.VMEM((D,), jnp.float32),
            pltpu.VMEM((C,), jnp.int32),
            pltpu.VMEM((C + 16,), jnp.float32),
            pltpu.VMEM((C, D), jnp.float32),
            pltpu.SemaphoreType.DMA,
        ],
        compiler_params=pltpu.CompilerParams(
            needs_layout_passes=False, use_tc_tiling_on_sc=False),
        interpret=INTERPRET,
    )
    out = run(xf, segf, tok_table, pos_table, seg_table, gamma, beta)
    return out.reshape(b, l, D)

# --- scband reference (transcript-rebuilt; emitter-appended) ---
"""Pipeline reference for scband-embedding-1683627180861 (READ-ONLY COPY).

The authoritative reference and input builder live on the scoring server;
editing this copy changes nothing except your own understanding.
"""

import jax, jax.numpy as jnp
import numpy as np

VOCAB = 100000
D_MODEL = 64
MAXLEN = 200
N_SEG = 2
B = 4096
L = 200
EPS = 1e-5


def setup_inputs(seed: int = 0) -> dict:
    key = jax.random.key(seed)
    k1, k2, k3, k4, k5 = jax.random.split(key, 5)
    x = jax.random.randint(k1, (B, L), 0, VOCAB, dtype=jnp.int64 if jax.config.jax_enable_x64 else jnp.int32)
    seg = jax.random.randint(k2, (B, L), 0, N_SEG, dtype=jnp.int64 if jax.config.jax_enable_x64 else jnp.int32)
    tok_table = jax.random.normal(k3, (VOCAB, D_MODEL), dtype=jnp.float32) * 0.02
    pos_table = jax.random.normal(k4, (MAXLEN, D_MODEL), dtype=jnp.float32) * 0.02
    seg_table = jax.random.normal(k5, (N_SEG, D_MODEL), dtype=jnp.float32) * 0.02
    gamma = jnp.ones((D_MODEL,), dtype=jnp.float32)
    beta = jnp.zeros((D_MODEL,), dtype=jnp.float32)
    return {"x": x, "seg": seg, "tok_table": tok_table, "pos_table": pos_table, "seg_table": seg_table, "gamma": gamma, "beta": beta}


def _layer_norm(h, gamma, beta):
    mean = jnp.mean(h, axis=-1, keepdims=True)
    var = jnp.mean((h - mean) ** 2, axis=-1, keepdims=True)
    return (h - mean) / jnp.sqrt(var + EPS) * gamma + beta


def reference(x, seg, tok_table, pos_table, seg_table, gamma, beta):
    seq_len = x.shape[1]
    pos = jnp.arange(seq_len)
    emb = jnp.take(tok_table, x, axis=0) + jnp.take(pos_table, pos, axis=0)[None, :, :] + jnp.take(seg_table, seg, axis=0)
    return _layer_norm(emb, gamma, beta)

if __name__ == "__main__":
    import jax
    _d = setup_inputs()
    print(jax.jit(kernel)(*tuple(_d.values())))

</pallas_src>

<mosaic_0001>
#map = affine_map<(d0, d1) -> (0)>
#map1 = affine_map<(d0, d1) -> (0, 0)>
module attributes {stable_mosaic.version = 14 : i64} {
  func.func @_body(%arg0: i32, %arg1: i32, %arg2: memref<819200xi32, #tpu.memory_space<hbm>>, %arg3: memref<819200xf32, #tpu.memory_space<hbm>>, %arg4: memref<100000x64xf32, #tpu.memory_space<hbm>>, %arg5: memref<200x64xf32, #tpu.memory_space<hbm>>, %arg6: memref<2x64xf32, #tpu.memory_space<hbm>>, %arg7: memref<64xf32, #tpu.memory_space<hbm>>, %arg8: memref<64xf32, #tpu.memory_space<hbm>>, %arg9: memref<819200x64xf32, #tpu.memory_space<hbm>>, %arg10: memref<200x64xf32, #tpu.memory_space<vmem>>, %arg11: memref<2x64xf32, #tpu.memory_space<vmem>>, %arg12: memref<64xf32, #tpu.memory_space<vmem>>, %arg13: memref<64xf32, #tpu.memory_space<vmem>>, %arg14: memref<512xi32, #tpu.memory_space<vmem>>, %arg15: memref<528xf32, #tpu.memory_space<vmem>>, %arg16: memref<512x64xf32, #tpu.memory_space<vmem>>, %arg17: memref<!tpu.dma_semaphore, #tpu.memory_space<semaphore_mem>>) attributes {dimension_semantics = [#tpu.dimension_semantics<core_parallel>, #tpu.dimension_semantics<subcore_parallel>], iteration_bounds = array<i64: 2, 16>, scalar_prefetch = 0 : i64, scratch_operands = 8 : i64, tpu.core_type = #tpu.core_type<sc_vector_subcore>, window_params = [{transform_indices = #map}, {transform_indices = #map}, {transform_indices = #map1}, {transform_indices = #map1}, {transform_indices = #map1}, {transform_indices = #map}, {transform_indices = #map}, {transform_indices = #map1}]} {
    %mul3A = arith.constant 2 : i32
    %mul3A_0 = arith.muli %arg1, %mul3A : i32
    %add3A = arith.addi %mul3A_0, %arg0 : i32
    %mul3A_1 = arith.constant 25600 : i32
    %mul3A_2 = arith.muli %add3A, %mul3A_1 : i32
    "tpu.region"() ({
      %run_scoped3A = tpu.sem_alloc : memref<!tpu.dma_semaphore, #tpu.memory_space<semaphore_mem>>
      tpu.enqueue_dma source(%arg5 : memref<200x64xf32, #tpu.memory_space<hbm>>) target(%arg10 : memref<200x64xf32, #tpu.memory_space<vmem>>) target_semaphore(%run_scoped3A : memref<!tpu.dma_semaphore, #tpu.memory_space<semaphore_mem>>)
      tpu.wait_dma2 semaphore(%run_scoped3A : memref<!tpu.dma_semaphore, #tpu.memory_space<semaphore_mem>>) src(%arg5 : memref<200x64xf32, #tpu.memory_space<hbm>>) dst(%arg10 : memref<200x64xf32, #tpu.memory_space<vmem>>)
      tpu.yield
    }) : () -> ()
    "tpu.region"() ({
      %run_scoped3A = tpu.sem_alloc : memref<!tpu.dma_semaphore, #tpu.memory_space<semaphore_mem>>
      tpu.enqueue_dma source(%arg6 : memref<2x64xf32, #tpu.memory_space<hbm>>) target(%arg11 : memref<2x64xf32, #tpu.memory_space<vmem>>) target_semaphore(%run_scoped3A : memref<!tpu.dma_semaphore, #tpu.memory_space<semaphore_mem>>)
      tpu.wait_dma2 semaphore(%run_scoped3A : memref<!tpu.dma_semaphore, #tpu.memory_space<semaphore_mem>>) src(%arg6 : memref<2x64xf32, #tpu.memory_space<hbm>>) dst(%arg11 : memref<2x64xf32, #tpu.memory_space<vmem>>)
      tpu.yield
    }) : () -> ()
    "tpu.region"() ({
      %run_scoped3A = tpu.sem_alloc : memref<!tpu.dma_semaphore, #tpu.memory_space<semaphore_mem>>
      tpu.enqueue_dma source(%arg7 : memref<64xf32, #tpu.memory_space<hbm>>) target(%arg12 : memref<64xf32, #tpu.memory_space<vmem>>) target_semaphore(%run_scoped3A : memref<!tpu.dma_semaphore, #tpu.memory_space<semaphore_mem>>)
      tpu.wait_dma2 semaphore(%run_scoped3A : memref<!tpu.dma_semaphore, #tpu.memory_space<semaphore_mem>>) src(%arg7 : memref<64xf32, #tpu.memory_space<hbm>>) dst(%arg12 : memref<64xf32, #tpu.memory_space<vmem>>)
      tpu.yield
    }) : () -> ()
    "tpu.region"() ({
      %run_scoped3A = tpu.sem_alloc : memref<!tpu.dma_semaphore, #tpu.memory_space<semaphore_mem>>
      tpu.enqueue_dma source(%arg8 : memref<64xf32, #tpu.memory_space<hbm>>) target(%arg13 : memref<64xf32, #tpu.memory_space<vmem>>) target_semaphore(%run_scoped3A : memref<!tpu.dma_semaphore, #tpu.memory_space<semaphore_mem>>)
      tpu.wait_dma2 semaphore(%run_scoped3A : memref<!tpu.dma_semaphore, #tpu.memory_space<semaphore_mem>>) src(%arg8 : memref<64xf32, #tpu.memory_space<hbm>>) dst(%arg13 : memref<64xf32, #tpu.memory_space<vmem>>)
      tpu.yield
    }) : () -> ()
    %get3A = arith.constant 0 : i32
    %get3A_3 = arith.index_cast %get3A : i32 to index
    %get3A_4 = arith.constant 0 : index
    %get3A_5 = tpu.vector_load %arg11[%get3A_3, %get3A_4] {strides = array<i32>} : memref<2x64xf32, #tpu.memory_space<vmem>>, vector<16xf32>,
    %get3A_6 = arith.constant 0 : i32
    %get3A_7 = arith.index_cast %get3A_6 : i32 to index
    %get3A_8 = arith.constant 16 : index
    %get3A_9 = tpu.vector_load %arg11[%get3A_7, %get3A_8] {strides = array<i32>} : memref<2x64xf32, #tpu.memory_space<vmem>>, vector<16xf32>,
    %get3A_10 = arith.constant 0 : i32
    %get3A_11 = arith.index_cast %get3A_10 : i32 to index
    %get3A_12 = arith.constant 32 : index
    %get3A_13 = tpu.vector_load %arg11[%get3A_11, %get3A_12] {strides = array<i32>} : memref<2x64xf32, #tpu.memory_space<vmem>>, vector<16xf32>,
    %get3A_14 = arith.constant 0 : i32
    %get3A_15 = arith.index_cast %get3A_14 : i32 to index
    %get3A_16 = arith.constant 48 : index
    %get3A_17 = tpu.vector_load %arg11[%get3A_15, %get3A_16] {strides = array<i32>} : memref<2x64xf32, #tpu.memory_space<vmem>>, vector<16xf32>,
    %get3A_18 = arith.constant 1 : i32
    %get3A_19 = arith.index_cast %get3A_18 : i32 to index
    %get3A_20 = arith.constant 0 : index
    %get3A_21 = tpu.vector_load %arg11[%get3A_19, %get3A_20] {strides = array<i32>} : memref<2x64xf32, #tpu.memory_space<vmem>>, vector<16xf32>,
    %sub3A = arith.subf %get3A_21, %get3A_5 : vector<16xf32>
    %get3A_22 = arith.constant 1 : i32
    %get3A_23 = arith.index_cast %get3A_22 : i32 to index
    %get3A_24 = arith.constant 16 : index
    %get3A_25 = tpu.vector_load %arg11[%get3A_23, %get3A_24] {strides = array<i32>} : memref<2x64xf32, #tpu.memory_space<vmem>>, vector<16xf32>,
    %sub3A_26 = arith.subf %get3A_25, %get3A_9 : vector<16xf32>
    %get3A_27 = arith.constant 1 : i32
    %get3A_28 = arith.index_cast %get3A_27 : i32 to index
    %get3A_29 = arith.constant 32 : index
    %get3A_30 = tpu.vector_load %arg11[%get3A_28, %get3A_29] {strides = array<i32>} : memref<2x64xf32, #tpu.memory_space<vmem>>, vector<16xf32>,
    %sub3A_31 = arith.subf %get3A_30, %get3A_13 : vector<16xf32>
    %get3A_32 = arith.constant 1 : i32
    %get3A_33 = arith.index_cast %get3A_32 : i32 to index
    %get3A_34 = arith.constant 48 : index
    %get3A_35 = tpu.vector_load %arg11[%get3A_33, %get3A_34] {strides = array<i32>} : memref<2x64xf32, #tpu.memory_space<vmem>>, vector<16xf32>,
    %sub3A_36 = arith.subf %get3A_35, %get3A_17 : vector<16xf32>
    %get3A_37 = arith.constant 0 : index
    %get3A_38 = tpu.vector_load %arg12[%get3A_37] {strides = array<i32>} : memref<64xf32, #tpu.memory_space<vmem>>, vector<16xf32>,
    %get3A_39 = arith.constant 16 : index
    %get3A_40 = tpu.vector_load %arg12[%get3A_39] {strides = array<i32>} : memref<64xf32, #tpu.memory_space<vmem>>, vector<16xf32>,
    %get3A_41 = arith.constant 32 : index
    %get3A_42 = tpu.vector_load %arg12[%get3A_41] {strides = array<i32>} : memref<64xf32, #tpu.memory_space<vmem>>, vector<16xf32>,
    %get3A_43 = arith.constant 48 : index
    %get3A_44 = tpu.vector_load %arg12[%get3A_43] {strides = array<i32>} : memref<64xf32, #tpu.memory_space<vmem>>, vector<16xf32>,
    %get3A_45 = arith.constant 0 : index
    %get3A_46 = tpu.vector_load %arg13[%get3A_45] {strides = array<i32>} : memref<64xf32, #tpu.memory_space<vmem>>, vector<16xf32>,
    %get3A_47 = arith.constant 16 : index
    %get3A_48 = tpu.vector_load %arg13[%get3A_47] {strides = array<i32>} : memref<64xf32, #tpu.memory_space<vmem>>, vector<16xf32>,
    %get3A_49 = arith.constant 32 : index
    %get3A_50 = tpu.vector_load %arg13[%get3A_49] {strides = array<i32>} : memref<64xf32, #tpu.memory_space<vmem>>, vector<16xf32>,
    %get3A_51 = arith.constant 48 : index
    %get3A_52 = tpu.vector_load %arg13[%get3A_51] {strides = array<i32>} : memref<64xf32, #tpu.memory_space<vmem>>, vector<16xf32>,
    %scan3A = arith.constant 0 : i32
    %scan3A_53 = arith.constant 0 : i32
    %scan3A_54 = arith.constant 50 : i32
    %scan3A_55 = arith.addi %scan3A_53, %scan3A_54 : i32
    %scan3A_56 = arith.constant 1 : i32
    scf.for %scan3A_58 = %scan3A_53 to %scan3A_55 step %scan3A_56  : i32 {
      %mul3A_59 = arith.constant 512 : i32
      %mul3A_60 = arith.muli %scan3A_58, %mul3A_59 : i32
      %add3A_61 = arith.addi %mul3A_2, %mul3A_60 : i32
      "tpu.region"() ({
        %run_scoped3A = tpu.sem_alloc : memref<!tpu.dma_semaphore, #tpu.memory_space<semaphore_mem>>
        %dma_start3A_130 = tpu.memref_slice %arg2[%add3A_61] : memref<819200xi32, #tpu.memory_space<hbm>> -> memref<512xi32, #tpu.memory_space<hbm>>
        %dma_start3A_131 = tpu.memref_slice %arg2[%add3A_61] : memref<819200xi32, #tpu.memory_space<hbm>> -> memref<512xi32, #tpu.memory_space<hbm>>
        tpu.enqueue_dma source(%dma_start3A_131 : memref<512xi32, #tpu.memory_space<hbm>>) target(%arg14 : memref<512xi32, #tpu.memory_space<vmem>>) target_semaphore(%run_scoped3A : memref<!tpu.dma_semaphore, #tpu.memory_space<semaphore_mem>>)
        %dma_wait3A_132 = tpu.memref_slice %arg2[%add3A_61] : memref<819200xi32, #tpu.memory_space<hbm>> -> memref<512xi32, #tpu.memory_space<hbm>>
        %dma_wait3A_133 = tpu.memref_slice %arg2[%add3A_61] : memref<819200xi32, #tpu.memory_space<hbm>> -> memref<512xi32, #tpu.memory_space<hbm>>
        tpu.wait_dma2 semaphore(%run_scoped3A : memref<!tpu.dma_semaphore, #tpu.memory_space<semaphore_mem>>) src(%dma_wait3A_133 : memref<512xi32, #tpu.memory_space<hbm>>) dst(%arg14 : memref<512xi32, #tpu.memory_space<vmem>>)
        tpu.yield
      }) : () -> ()
      "tpu.region"() ({
        %run_scoped3A = tpu.sem_alloc : memref<!tpu.dma_semaphore, #tpu.memory_space<semaphore_mem>>
        %dma_start3A_130 = arith.constant 0 : i32
        %dma_start3A_131 = tpu.memref_slice %arg15[%dma_start3A_130] : memref<528xf32, #tpu.memory_space<vmem>> -> memref<512xf32, #tpu.memory_space<vmem>>
        %dma_start3A_132 = tpu.memref_slice %arg3[%add3A_61] : memref<819200xf32, #tpu.memory_space<hbm>> -> memref<512xf32, #tpu.memory_space<hbm>>
        %dma_start3A_133 = arith.constant 0 : i32
        %dma_start3A_134 = tpu.memref_slice %arg15[%dma_start3A_133] : memref<528xf32, #tpu.memory_space<vmem>> -> memref<512xf32, #tpu.memory_space<vmem>>
        %dma_start3A_135 = tpu.memref_slice %arg3[%add3A_61] : memref<819200xf32, #tpu.memory_space<hbm>> -> memref<512xf32, #tpu.memory_space<hbm>>
        tpu.enqueue_dma source(%dma_start3A_135 : memref<512xf32, #tpu.memory_space<hbm>>) target(%dma_start3A_134 : memref<512xf32, #tpu.memory_space<vmem>>) target_semaphore(%run_scoped3A : memref<!tpu.dma_semaphore, #tpu.memory_space<semaphore_mem>>)
        %dma_wait3A_136 = arith.constant 0 : i32
        %dma_wait3A_137 = tpu.memref_slice %arg15[%dma_wait3A_136] : memref<528xf32, #tpu.memory_space<vmem>> -> memref<512xf32, #tpu.memory_space<vmem>>
        %dma_wait3A_138 = tpu.memref_slice %arg3[%add3A_61] : memref<819200xf32, #tpu.memory_space<hbm>> -> memref<512xf32, #tpu.memory_space<hbm>>
        %dma_wait3A_139 = arith.constant 0 : i32
        %dma_wait3A_140 = tpu.memref_slice %arg15[%dma_wait3A_139] : memref<528xf32, #tpu.memory_space<vmem>> -> memref<512xf32, #tpu.memory_space<vmem>>
        %dma_wait3A_141 = tpu.memref_slice %arg3[%add3A_61] : memref<819200xf32, #tpu.memory_space<hbm>> -> memref<512xf32, #tpu.memory_space<hbm>>
        tpu.wait_dma2 semaphore(%run_scoped3A : memref<!tpu.dma_semaphore, #tpu.memory_space<semaphore_mem>>) src(%dma_wait3A_141 : memref<512xf32, #tpu.memory_space<hbm>>) dst(%dma_wait3A_140 : memref<512xf32, #tpu.memory_space<vmem>>)
        tpu.yield
      }) : () -> ()
      %dma_start3A = arith.constant 0 : i32
      %dma_start3A_62 = arith.constant 0 : i32
      %dma_start3A_63 = tpu.memref_slice %arg16[%dma_start3A, %dma_start3A_62] : memref<512x64xf32, #tpu.memory_space<vmem>> -> memref<128x64xf32, #tpu.memory_space<vmem>>
      %dma_start3A_64 = arith.constant 0 : i32
      %dma_start3A_65 = tpu.memref_slice %arg14[%dma_start3A_64] : memref<512xi32, #tpu.memory_space<vmem>> -> memref<128xi32, #tpu.memory_space<vmem>>
      %dma_start3A_66 = arith.constant 0 : i32
      %dma_start3A_67 = arith.constant 0 : i32
      %dma_start3A_68 = tpu.memref_slice %arg4[%dma_start3A_66, %dma_start3A_67] : memref<100000x64xf32, #tpu.memory_space<hbm>> -> memref<100000x64xf32, #tpu.memory_space<hbm>>
      tpu.enqueue_indirect_dma source(%dma_start3A_68 : memref<100000x64xf32, #tpu.memory_space<hbm>>) target(%dma_start3A_63 : memref<128x64xf32, #tpu.memory_space<vmem>>) offsets(%dma_start3A_65 : memref<128xi32, #tpu.memory_space<vmem>>) semaphore(%arg17 : memref<!tpu.dma_semaphore, #tpu.memory_space<semaphore_mem>>)
      %dma_start3A_69 = arith.constant 128 : i32
      %dma_start3A_70 = arith.constant 0 : i32
      %dma_start3A_71 = tpu.memref_slice %arg16[%dma_start3A_69, %dma_start3A_70] : memref<512x64xf32, #tpu.memory_space<vmem>> -> memref<128x64xf32, #tpu.memory_space<vmem>>
      %dma_start3A_72 = arith.constant 128 : i32
      %dma_start3A_73 = tpu.memref_slice %arg14[%dma_start3A_72] : memref<512xi32, #tpu.memory_space<vmem>> -> memref<128xi32, #tpu.memory_space<vmem>>
      %dma_start3A_74 = arith.constant 0 : i32
      %dma_start3A_75 = arith.constant 0 : i32
      %dma_start3A_76 = tpu.memref_slice %arg4[%dma_start3A_74, %dma_start3A_75] : memref<100000x64xf32, #tpu.memory_space<hbm>> -> memref<100000x64xf32, #tpu.memory_space<hbm>>
      tpu.enqueue_indirect_dma source(%dma_start3A_76 : memref<100000x64xf32, #tpu.memory_space<hbm>>) target(%dma_start3A_71 : memref<128x64xf32, #tpu.memory_space<vmem>>) offsets(%dma_start3A_73 : memref<128xi32, #tpu.memory_space<vmem>>) semaphore(%arg17 : memref<!tpu.dma_semaphore, #tpu.memory_space<semaphore_mem>>)
      %dma_start3A_77 = arith.constant 256 : i32
      %dma_start3A_78 = arith.constant 0 : i32
      %dma_start3A_79 = tpu.memref_slice %arg16[%dma_start3A_77, %dma_start3A_78] : memref<512x64xf32, #tpu.memory_space<vmem>> -> memref<128x64xf32, #tpu.memory_space<vmem>>
      %dma_start3A_80 = arith.constant 256 : i32
      %dma_start3A_81 = tpu.memref_slice %arg14[%dma_start3A_80] : memref<512xi32, #tpu.memory_space<vmem>> -> memref<128xi32, #tpu.memory_space<vmem>>
      %dma_start3A_82 = arith.constant 0 : i32
      %dma_start3A_83 = arith.constant 0 : i32
      %dma_start3A_84 = tpu.memref_slice %arg4[%dma_start3A_82, %dma_start3A_83] : memref<100000x64xf32, #tpu.memory_space<hbm>> -> memref<100000x64xf32, #tpu.memory_space<hbm>>
      tpu.enqueue_indirect_dma source(%dma_start3A_84 : memref<100000x64xf32, #tpu.memory_space<hbm>>) target(%dma_start3A_79 : memref<128x64xf32, #tpu.memory_space<vmem>>) offsets(%dma_start3A_81 : memref<128xi32, #tpu.memory_space<vmem>>) semaphore(%arg17 : memref<!tpu.dma_semaphore, #tpu.memory_space<semaphore_mem>>)
      %dma_start3A_85 = arith.constant 384 : i32
      %dma_start3A_86 = arith.constant 0 : i32
      %dma_start3A_87 = tpu.memref_slice %arg16[%dma_start3A_85, %dma_start3A_86] : memref<512x64xf32, #tpu.memory_space<vmem>> -> memref<128x64xf32, #tpu.memory_space<vmem>>
      %dma_start3A_88 = arith.constant 384 : i32
      %dma_start3A_89 = tpu.memref_slice %arg14[%dma_start3A_88] : memref<512xi32, #tpu.memory_space<vmem>> -> memref<128xi32, #tpu.memory_space<vmem>>
      %dma_start3A_90 = arith.constant 0 : i32
      %dma_start3A_91 = arith.constant 0 : i32
      %dma_start3A_92 = tpu.memref_slice %arg4[%dma_start3A_90, %dma_start3A_91] : memref<100000x64xf32, #tpu.memory_space<hbm>> -> memref<100000x64xf32, #tpu.memory_space<hbm>>
      tpu.enqueue_indirect_dma source(%dma_start3A_92 : memref<100000x64xf32, #tpu.memory_space<hbm>>) target(%dma_start3A_87 : memref<128x64xf32, #tpu.memory_space<vmem>>) offsets(%dma_start3A_89 : memref<128xi32, #tpu.memory_space<vmem>>) semaphore(%arg17 : memref<!tpu.dma_semaphore, #tpu.memory_space<semaphore_mem>>)
      %dma_wait3A = arith.constant 0 : i32
      %dma_wait3A_93 = arith.constant 0 : i32
      %dma_wait3A_94 = tpu.memref_slice %arg16[%dma_wait3A, %dma_wait3A_93] : memref<512x64xf32, #tpu.memory_space<vmem>> -> memref<128x64xf32, #tpu.memory_space<vmem>>
      %dma_wait3A_95 = arith.constant 0 : i32
      %dma_wait3A_96 = tpu.memref_slice %arg14[%dma_wait3A_95] : memref<512xi32, #tpu.memory_space<vmem>> -> memref<128xi32, #tpu.memory_space<vmem>>
      %dma_wait3A_97 = arith.constant 0 : i32
      %dma_wait3A_98 = arith.constant 0 : i32
      %dma_wait3A_99 = tpu.memref_slice %arg4[%dma_wait3A_97, %dma_wait3A_98] : memref<100000x64xf32, #tpu.memory_space<hbm>> -> memref<100000x64xf32, #tpu.memory_space<hbm>>
      tpu.wait_indirect_dma semaphore(%arg17 : memref<!tpu.dma_semaphore, #tpu.memory_space<semaphore_mem>>) src(%dma_wait3A_99 : memref<100000x64xf32, #tpu.memory_space<hbm>>) dst(%dma_wait3A_94 : memref<128x64xf32, #tpu.memory_space<vmem>>)
      %dma_wait3A_100 = arith.constant 128 : i32
      %dma_wait3A_101 = arith.constant 0 : i32
      %dma_wait3A_102 = tpu.memref_slice %arg16[%dma_wait3A_100, %dma_wait3A_101] : memref<512x64xf32, #tpu.memory_space<vmem>> -> memref<128x64xf32, #tpu.memory_space<vmem>>
      %dma_wait3A_103 = arith.constant 128 : i32
      %dma_wait3A_104 = tpu.memref_slice %arg14[%dma_wait3A_103] : memref<512xi32, #tpu.memory_space<vmem>> -> memref<128xi32, #tpu.memory_space<vmem>>
      %dma_wait3A_105 = arith.constant 0 : i32
      %dma_wait3A_106 = arith.constant 0 : i32
      %dma_wait3A_107 = tpu.memref_slice %arg4[%dma_wait3A_105, %dma_wait3A_106] : memref<100000x64xf32, #tpu.memory_space<hbm>> -> memref<100000x64xf32, #tpu.memory_space<hbm>>
      tpu.wait_indirect_dma semaphore(%arg17 : memref<!tpu.dma_semaphore, #tpu.memory_space<semaphore_mem>>) src(%dma_wait3A_107 : memref<100000x64xf32, #tpu.memory_space<hbm>>) dst(%dma_wait3A_102 : memref<128x64xf32, #tpu.memory_space<vmem>>)
      %dma_wait3A_108 = arith.constant 256 : i32
      %dma_wait3A_109 = arith.constant 0 : i32
      %dma_wait3A_110 = tpu.memref_slice %arg16[%dma_wait3A_108, %dma_wait3A_109] : memref<512x64xf32, #tpu.memory_space<vmem>> -> memref<128x64xf32, #tpu.memory_space<vmem>>
      %dma_wait3A_111 = arith.constant 256 : i32
      %dma_wait3A_112 = tpu.memref_slice %arg14[%dma_wait3A_111] : memref<512xi32, #tpu.memory_space<vmem>> -> memref<128xi32, #tpu.memory_space<vmem>>
      %dma_wait3A_113 = arith.constant 0 : i32
      %dma_wait3A_114 = arith.constant 0 : i32
      %dma_wait3A_115 = tpu.memref_slice %arg4[%dma_wait3A_113, %dma_wait3A_114] : memref<100000x64xf32, #tpu.memory_space<hbm>> -> memref<100000x64xf32, #tpu.memory_space<hbm>>
      tpu.wait_indirect_dma semaphore(%arg17 : memref<!tpu.dma_semaphore, #tpu.memory_space<semaphore_mem>>) src(%dma_wait3A_115 : memref<100000x64xf32, #tpu.memory_space<hbm>>) dst(%dma_wait3A_110 : memref<128x64xf32, #tpu.memory_space<vmem>>)
      %dma_wait3A_116 = arith.constant 384 : i32
      %dma_wait3A_117 = arith.constant 0 : i32
      %dma_wait3A_118 = tpu.memref_slice %arg16[%dma_wait3A_116, %dma_wait3A_117] : memref<512x64xf32, #tpu.memory_space<vmem>> -> memref<128x64xf32, #tpu.memory_space<vmem>>
      %dma_wait3A_119 = arith.constant 384 : i32
      %dma_wait3A_120 = tpu.memref_slice %arg14[%dma_wait3A_119] : memref<512xi32, #tpu.memory_space<vmem>> -> memref<128xi32, #tpu.memory_space<vmem>>
      %dma_wait3A_121 = arith.constant 0 : i32
      %dma_wait3A_122 = arith.constant 0 : i32
      %dma_wait3A_123 = tpu.memref_slice %arg4[%dma_wait3A_121, %dma_wait3A_122] : memref<100000x64xf32, #tpu.memory_space<hbm>> -> memref<100000x64xf32, #tpu.memory_space<hbm>>
      tpu.wait_indirect_dma semaphore(%arg17 : memref<!tpu.dma_semaphore, #tpu.memory_space<semaphore_mem>>) src(%dma_wait3A_123 : memref<100000x64xf32, #tpu.memory_space<hbm>>) dst(%dma_wait3A_118 : memref<128x64xf32, #tpu.memory_space<vmem>>)
      %scan3A_124 = arith.constant 0 : i32
      %scan3A_125 = arith.constant 0 : i32
      %scan3A_126 = arith.constant 512 : i32
      %scan3A_127 = arith.addi %scan3A_125, %scan3A_126 : i32
      %scan3A_128 = arith.constant 1 : i32
      scf.for %scan3A_130 = %scan3A_125 to %scan3A_127 step %scan3A_128  : i32 {
        %add3A_131 = arith.addi %add3A_61, %scan3A_130 : i32
        %rem3A = arith.constant 200 : i32
        %rem3A_132 = arith.remsi %add3A_131, %rem3A : i32
        %get3A_133 = arith.index_cast %scan3A_130 : i32 to index
        %get3A_134 = tpu.vector_load %arg15[%get3A_133] {strides = array<i32>} : memref<528xf32, #tpu.memory_space<vmem>>, vector<16xf32>,
        %slice3A = vector.extract_strided_slice %get3A_134 {offsets = [0], sizes = [1], strides = [1]} : vector<16xf32> to vector<1xf32>
        %squeeze3A = vector.extract %slice3A[0] : f32 from vector<1xf32>
        %broadcast_in_dim3A = vector.broadcast %squeeze3A : f32 to vector<16xf32>
        %get3A_135 = arith.index_cast %scan3A_130 : i32 to index
        %get3A_136 = arith.constant 0 : index
        %get3A_137 = tpu.vector_load %arg16[%get3A_135, %get3A_136] {strides = array<i32>} : memref<512x64xf32, #tpu.memory_space<vmem>>, vector<16xf32>,
        %get3A_138 = arith.index_cast %rem3A_132 : i32 to index
        %get3A_139 = arith.constant 0 : index
        %get3A_140 = tpu.vector_load %arg10[%get3A_138, %get3A_139] {strides = array<i32>} : memref<200x64xf32, #tpu.memory_space<vmem>>, vector<16xf32>,
        %add3A_141 = arith.addf %get3A_137, %get3A_140 : vector<16xf32>
        %add3A_142 = arith.addf %add3A_141, %get3A_5 : vector<16xf32>
        %mul3A_143 = arith.mulf %broadcast_in_dim3A, %sub3A : vector<16xf32>
        %add3A_144 = arith.addf %add3A_142, %mul3A_143 : vector<16xf32>
        %get3A_145 = arith.index_cast %scan3A_130 : i32 to index
        %get3A_146 = arith.constant 16 : index
        %get3A_147 = tpu.vector_load %arg16[%get3A_145, %get3A_146] {strides = array<i32>} : memref<512x64xf32, #tpu.memory_space<vmem>>, vector<16xf32>,
        %get3A_148 = arith.index_cast %rem3A_132 : i32 to index
        %get3A_149 = arith.constant 16 : index
        %get3A_150 = tpu.vector_load %arg10[%get3A_148, %get3A_149] {strides = array<i32>} : memref<200x64xf32, #tpu.memory_space<vmem>>, vector<16xf32>,
        %add3A_151 = arith.addf %get3A_147, %get3A_150 : vector<16xf32>
        %add3A_152 = arith.addf %add3A_151, %get3A_9 : vector<16xf32>
        %mul3A_153 = arith.mulf %broadcast_in_dim3A, %sub3A_26 : vector<16xf32>
        %add3A_154 = arith.addf %add3A_152, %mul3A_153 : vector<16xf32>
        %get3A_155 = arith.index_cast %scan3A_130 : i32 to index
        %get3A_156 = arith.constant 32 : index
        %get3A_157 = tpu.vector_load %arg16[%get3A_155, %get3A_156] {strides = array<i32>} : memref<512x64xf32, #tpu.memory_space<vmem>>, vector<16xf32>,
        %get3A_158 = arith.index_cast %rem3A_132 : i32 to index
        %get3A_159 = arith.constant 32 : index
        %get3A_160 = tpu.vector_load %arg10[%get3A_158, %get3A_159] {strides = array<i32>} : memref<200x64xf32, #tpu.memory_space<vmem>>, vector<16xf32>,
        %add3A_161 = arith.addf %get3A_157, %get3A_160 : vector<16xf32>
        %add3A_162 = arith.addf %add3A_161, %get3A_13 : vector<16xf32>
        %mul3A_163 = arith.mulf %broadcast_in_dim3A, %sub3A_31 : vector<16xf32>
        %add3A_164 = arith.addf %add3A_162, %mul3A_163 : vector<16xf32>
        %get3A_165 = arith.index_cast %scan3A_130 : i32 to index
        %get3A_166 = arith.constant 48 : index
        %get3A_167 = tpu.vector_load %arg16[%get3A_165, %get3A_166] {strides = array<i32>} : memref<512x64xf32, #tpu.memory_space<vmem>>, vector<16xf32>,
        %get3A_168 = arith.index_cast %rem3A_132 : i32 to index
        %get3A_169 = arith.constant 48 : index
        %get3A_170 = tpu.vector_load %arg10[%get3A_168, %get3A_169] {strides = array<i32>} : memref<200x64xf32, #tpu.memory_space<vmem>>, vector<16xf32>,
        %add3A_171 = arith.addf %get3A_167, %get3A_170 : vector<16xf32>
        %add3A_172 = arith.addf %add3A_171, %get3A_17 : vector<16xf32>
        %mul3A_173 = arith.mulf %broadcast_in_dim3A, %sub3A_36 : vector<16xf32>
        %add3A_174 = arith.addf %add3A_172, %mul3A_173 : vector<16xf32>
        %add3A_175 = arith.addf %add3A_144, %add3A_154 : vector<16xf32>
        %add3A_176 = arith.addf %add3A_164, %add3A_174 : vector<16xf32>
        %add3A_177 = arith.addf %add3A_175, %add3A_176 : vector<16xf32>
        %reduce_sum3A = arith.constant true
        %reduce_sum3A_178 = vector.broadcast %reduce_sum3A : i1 to vector<16xi1>
        %reduce_sum3A_179 = tpu.scan <sum>, %add3A_177 masked %reduce_sum3A_178 : vector<16xf32>, vector<16xi1> -> vector<16xf32>
        %reduce_sum3A_180 = vector.extract %reduce_sum3A_179[15] : f32 from vector<16xf32>
        %mul3A_181 = arith.mulf %add3A_144, %add3A_144 : vector<16xf32>
        %mul3A_182 = arith.mulf %add3A_154, %add3A_154 : vector<16xf32>
        %add3A_183 = arith.addf %mul3A_181, %mul3A_182 : vector<16xf32>
        %mul3A_184 = arith.mulf %add3A_164, %add3A_164 : vector<16xf32>
        %mul3A_185 = arith.mulf %add3A_174, %add3A_174 : vector<16xf32>
        %add3A_186 = arith.addf %mul3A_184, %mul3A_185 : vector<16xf32>
        %add3A_187 = arith.addf %add3A_183, %add3A_186 : vector<16xf32>
        %reduce_sum3A_188 = arith.constant true
        %reduce_sum3A_189 = vector.broadcast %reduce_sum3A_188 : i1 to vector<16xi1>
        %reduce_sum3A_190 = tpu.scan <sum>, %add3A_187 masked %reduce_sum3A_189 : vector<16xf32>, vector<16xi1> -> vector<16xf32>
        %reduce_sum3A_191 = vector.extract %reduce_sum3A_190[15] : f32 from vector<16xf32>
        %mul3A_192 = arith.constant 1.562500e-02 : f32
        %mul3A_193 = arith.mulf %reduce_sum3A_180, %mul3A_192 : f32
        %mul3A_194 = arith.constant 1.562500e-02 : f32
        %mul3A_195 = arith.mulf %reduce_sum3A_191, %mul3A_194 : f32
        %mul3A_196 = arith.mulf %mul3A_193, %mul3A_193 : f32
        %sub3A_197 = arith.subf %mul3A_195, %mul3A_196 : f32
        %broadcast_in_dim3A_198 = vector.broadcast %mul3A_193 : f32 to vector<16xf32>
        %add3A_199 = arith.constant 9.99999974E-6 : f32
        %add3A_200 = arith.addf %sub3A_197, %add3A_199 : f32
        %broadcast_in_dim3A_201 = vector.broadcast %add3A_200 : f32 to vector<16xf32>
        %broadcast_in_dim3A_202 = arith.constant 1597463007 : i32
        %broadcast_in_dim3A_203 = vector.broadcast %broadcast_in_dim3A_202 : i32 to vector<16xi32>
        %bitcast3A = vector.bitcast %broadcast_in_dim3A_201 : vector<16xf32> to vector<16xi32>
        %shift_right_arithmetic3A = arith.constant 1 : i32
        %shift_right_arithmetic3A_204 = vector.broadcast %shift_right_arithmetic3A : i32 to vector<16xi32>
        %shift_right_arithmetic3A_205 = arith.shrsi %bitcast3A, %shift_right_arithmetic3A_204 : vector<16xi32>
        %sub3A_206 = arith.subi %broadcast_in_dim3A_203, %shift_right_arithmetic3A_205 : vector<16xi32>
        %bitcast3A_207 = vector.bitcast %sub3A_206 : vector<16xi32> to vector<16xf32>
        %mul3A_208 = arith.constant 5.000000e-01 : f32
        %mul3A_209 = vector.broadcast %mul3A_208 : f32 to vector<16xf32>
        %mul3A_210 = arith.mulf %mul3A_209, %broadcast_in_dim3A_201 : vector<16xf32>
        %mul3A_211 = arith.mulf %mul3A_210, %bitcast3A_207 : vector<16xf32>
        %mul3A_212 = arith.mulf %mul3A_211, %bitcast3A_207 : vector<16xf32>
        %sub3A_213 = arith.constant 1.500000e+00 : f32
        %sub3A_214 = vector.broadcast %sub3A_213 : f32 to vector<16xf32>
        %sub3A_215 = arith.subf %sub3A_214, %mul3A_212 : vector<16xf32>
        %mul3A_216 = arith.mulf %bitcast3A_207, %sub3A_215 : vector<16xf32>
        %mul3A_217 = arith.constant 5.000000e-01 : f32
        %mul3A_218 = vector.broadcast %mul3A_217 : f32 to vector<16xf32>
        %mul3A_219 = arith.mulf %mul3A_218, %broadcast_in_dim3A_201 : vector<16xf32>
        %mul3A_220 = arith.mulf %mul3A_219, %mul3A_216 : vector<16xf32>
        %mul3A_221 = arith.mulf %mul3A_220, %mul3A_216 : vector<16xf32>
        %sub3A_222 = arith.constant 1.500000e+00 : f32
        %sub3A_223 = vector.broadcast %sub3A_222 : f32 to vector<16xf32>
        %sub3A_224 = arith.subf %sub3A_223, %mul3A_221 : vector<16xf32>
        %mul3A_225 = arith.mulf %mul3A_216, %sub3A_224 : vector<16xf32>
        %mul3A_226 = arith.constant 5.000000e-01 : f32
        %mul3A_227 = vector.broadcast %mul3A_226 : f32 to vector<16xf32>
        %mul3A_228 = arith.mulf %mul3A_227, %broadcast_in_dim3A_201 : vector<16xf32>
        %mul3A_229 = arith.mulf %mul3A_228, %mul3A_225 : vector<16xf32>
        %mul3A_230 = arith.mulf %mul3A_229, %mul3A_225 : vector<16xf32>
        %sub3A_231 = arith.constant 1.500000e+00 : f32
        %sub3A_232 = vector.broadcast %sub3A_231 : f32 to vector<16xf32>
        %sub3A_233 = arith.subf %sub3A_232, %mul3A_230 : vector<16xf32>
        %mul3A_234 = arith.mulf %mul3A_225, %sub3A_233 : vector<16xf32>
        %sub3A_235 = arith.subf %add3A_144, %broadcast_in_dim3A_198 : vector<16xf32>
        %mul3A_236 = arith.mulf %sub3A_235, %mul3A_234 : vector<16xf32>
        %mul3A_237 = arith.mulf %mul3A_236, %get3A_38 : vector<16xf32>
        %add3A_238 = arith.addf %mul3A_237, %get3A_46 : vector<16xf32>
        %swap3A = arith.index_cast %scan3A_130 : i32 to index
        %swap3A_239 = arith.constant 0 : index
        %swap3A_240 = tpu.vector_load %arg16[%swap3A, %swap3A_239] {strides = array<i32>} : memref<512x64xf32, #tpu.memory_space<vmem>>, vector<16xf32>,
        tpu.vector_store %arg16[%swap3A, %swap3A_239], %add3A_238 {strides = array<i32>} : memref<512x64xf32, #tpu.memory_space<vmem>>, vector<16xf32>,
        %sub3A_241 = arith.subf %add3A_154, %broadcast_in_dim3A_198 : vector<16xf32>
        %mul3A_242 = arith.mulf %sub3A_241, %mul3A_234 : vector<16xf32>
        %mul3A_243 = arith.mulf %mul3A_242, %get3A_40 : vector<16xf32>
        %add3A_244 = arith.addf %mul3A_243, %get3A_48 : vector<16xf32>
        %swap3A_245 = arith.index_cast %scan3A_130 : i32 to index
        %swap3A_246 = arith.constant 16 : index
        %swap3A_247 = tpu.vector_load %arg16[%swap3A_245, %swap3A_246] {strides = array<i32>} : memref<512x64xf32, #tpu.memory_space<vmem>>, vector<16xf32>,
        tpu.vector_store %arg16[%swap3A_245, %swap3A_246], %add3A_244 {strides = array<i32>} : memref<512x64xf32, #tpu.memory_space<vmem>>, vector<16xf32>,
        %sub3A_248 = arith.subf %add3A_164, %broadcast_in_dim3A_198 : vector<16xf32>
        %mul3A_249 = arith.mulf %sub3A_248, %mul3A_234 : vector<16xf32>
        %mul3A_250 = arith.mulf %mul3A_249, %get3A_42 : vector<16xf32>
        %add3A_251 = arith.addf %mul3A_250, %get3A_50 : vector<16xf32>
        %swap3A_252 = arith.index_cast %scan3A_130 : i32 to index
        %swap3A_253 = arith.constant 32 : index
        %swap3A_254 = tpu.vector_load %arg16[%swap3A_252, %swap3A_253] {strides = array<i32>} : memref<512x64xf32, #tpu.memory_space<vmem>>, vector<16xf32>,
        tpu.vector_store %arg16[%swap3A_252, %swap3A_253], %add3A_251 {strides = array<i32>} : memref<512x64xf32, #tpu.memory_space<vmem>>, vector<16xf32>,
        %sub3A_255 = arith.subf %add3A_174, %broadcast_in_dim3A_198 : vector<16xf32>
        %mul3A_256 = arith.mulf %sub3A_255, %mul3A_234 : vector<16xf32>
        %mul3A_257 = arith.mulf %mul3A_256, %get3A_44 : vector<16xf32>
        %add3A_258 = arith.addf %mul3A_257, %get3A_52 : vector<16xf32>
        %swap3A_259 = arith.index_cast %scan3A_130 : i32 to index
        %swap3A_260 = arith.constant 48 : index
        %swap3A_261 = tpu.vector_load %arg16[%swap3A_259, %swap3A_260] {strides = array<i32>} : memref<512x64xf32, #tpu.memory_space<vmem>>, vector<16xf32>,
        tpu.vector_store %arg16[%swap3A_259, %swap3A_260], %add3A_258 {strides = array<i32>} : memref<512x64xf32, #tpu.memory_space<vmem>>, vector<16xf32>,
      }
      %scan3A_129 = arith.constant 512 : i32
      "tpu.region"() ({
        %run_scoped3A = tpu.sem_alloc : memref<!tpu.dma_semaphore, #tpu.memory_space<semaphore_mem>>
        %dma_start3A_130 = arith.constant 0 : i32
        %dma_start3A_131 = tpu.memref_slice %arg9[%add3A_61, %dma_start3A_130] : memref<819200x64xf32, #tpu.memory_space<hbm>> -> memref<512x64xf32, #tpu.memory_space<hbm>>
        %dma_start3A_132 = arith.constant 0 : i32
        %dma_start3A_133 = tpu.memref_slice %arg9[%add3A_61, %dma_start3A_132] : memref<819200x64xf32, #tpu.memory_space<hbm>> -> memref<512x64xf32, #tpu.memory_space<hbm>>
        tpu.enqueue_dma source(%arg16 : memref<512x64xf32, #tpu.memory_space<vmem>>) target(%dma_start3A_133 : memref<512x64xf32, #tpu.memory_space<hbm>>) target_semaphore(%run_scoped3A : memref<!tpu.dma_semaphore, #tpu.memory_space<semaphore_mem>>)
        %dma_wait3A_134 = arith.constant 0 : i32
        %dma_wait3A_135 = tpu.memref_slice %arg9[%add3A_61, %dma_wait3A_134] : memref<819200x64xf32, #tpu.memory_space<hbm>> -> memref<512x64xf32, #tpu.memory_space<hbm>>
        %dma_wait3A_136 = arith.constant 0 : i32
        %dma_wait3A_137 = tpu.memref_slice %arg9[%add3A_61, %dma_wait3A_136] : memref<819200x64xf32, #tpu.memory_space<hbm>> -> memref<512x64xf32, #tpu.memory_space<hbm>>
        tpu.wait_dma2 semaphore(%run_scoped3A : memref<!tpu.dma_semaphore, #tpu.memory_space<semaphore_mem>>) src(%arg16 : memref<512x64xf32, #tpu.memory_space<vmem>>) dst(%dma_wait3A_137 : memref<512x64xf32, #tpu.memory_space<hbm>>)
        tpu.yield
      }) : () -> ()
    }
    %scan3A_57 = arith.constant 50 : i32
    return
  }
}

</mosaic_0001>

<sc_bundles>
// kernel: kernel.3.cloned.1.call-start
scs
__scs_entry_jumppad:
0x0: {  	(pc) =	sbr.rel $0x88, $3  }
0x1: {  	(tag) =	ssettag $0x0;
	lr =	simm.s32 $0x1  }
0x2: {  	[smem:$0x3F9A] =	sst lr;
	_ =	strace $0xD0000000  }
0x3: {  	_ = 	snop  }
0x4: {  	_ = 	snop  }
0x5: {  	_ = 	snop  }
0x6: {  	_ = 	snop  }
0x7: {  	_ = 	snop  }
__scs_overlays_trampoline_lowered:
0x8: {  	[smem:$0x3FA9] =	sst s0  }
0x9: {  	[smem:$0x3FAA] =	sst s1  }
0xa: {  	[smem:$0x3FAB] =	sst s2  }
0xb: {  	[smem:$0x3FAC] =	sst s3  }
0xc: {  	[smem:$0x3FAD] =	sst s4  }
0xd: {  	[smem:$0x3FAE] =	sst s5  }
0xe: {  	[smem:$0x3FAF] =	sst s6  }
0xf: {  	[smem:$0x3FB0] =	sst s7  }
0x10: {  	[smem:$0x3FB1] =	sst s8  }
0x11: {  	[smem:$0x3FB2] =	sst s9;
	s0 =	simm.s32 @!p0 $0x0  }
0x12: {  	s1 =	sld [smem:$0x3F98];
	s0 =	simm.s32 @p0 $0x1  }
0x13: {  	[smem:$0x3FB3] =	sst s0;
	s0 =	simm.s32 @!p1 $0x0  }
0x14: {  	s2 =	sld [smem:$0x3F97];
	s0 =	simm.s32 @p1 $0x1  }
0x15: {  	[smem:$0x3FB4] =	sst s0;
	s0 =	simm.s32 @!p2 $0x0  }
0x16: {  	s3 =	sld [smem:$0x3FDB];
	s0 =	simm.s32 @p2 $0x1  }
0x17: {  	s4 =	simm.s32 $0x1BF5;
	[smem:$0x3FB6] =	sst s0  }
0x18: {  	s0 =	sld [smem:$0x3F99];
	_ =	swait.ge [sflag:s4], $0x0  }
0x19: {  	s7 =	sld [smem:$0x3F9A]  }
0x1a: {  	s8 =	sadd.s32 $0xFFFFE003, lr  }
0x1b: {  	s9 =	sadd.s32 $0xFFFFFEF7, lr;
	s5 =	simm.s32 $0xFFFFFFFF;
	p2 =	slt.u32 s8, $0xFFFFF086  }
0x1c: {  	p1 =	slt.u32 s9, $0xF7A;
	s5 =	simm.s32 @!p2 $0x0  }
0x1d: {  	s5 =	simm.s32 @p1 $0x1;
	p0 =	seq.s32 s7, s2  }
0x1e: {  	s7 =	smul.u32 @!p0 $0xF7A, s2;
	p2 =	seq.s32 @!p0 s5, $0x0  }
0x1f: {  	s9 =	smul.u32 $0xF7A, s1;
	s8 =	simm.s32 @!p0 $0x1BF5;
	p2 =	por !p2, p0  }
0x20: {  	[sflag:s8] =	ssyncset.s32 @!p0 $0xFFFFF086;
	s6 =	sadd.s32 @!p0 s3, s7;
	s7 =	simm.s32 @!p0 $0x108  }
0x21: {  	s3 =	sadd.s32 s3, s9;
	s6 =	sadd.s32 @!p0 $0x88, s6;
	s7 =	simm.s32 @p2 $0x1082  }
0x22: {  	[simem:s7], [sflag:s8] =	dma.local @!p0 [hbm:s6], $0xF7A  }
0x23: {  	s9 =	sor.u32 $0xD0000000, s2;
	s6 =	simm.s32 $0x108;
	_ =	swait.ge @!p0 [sflag:s8], $0x0  }
0x24: {  	s3 =	sadd.s32 $0x88, s3;
	s6 =	simm.s32 @!p1 $0x1082;
	[sflag:s4] =	ssyncset.s32 $0xFFFFF086  }
0x25: {  	[simem:s6], [sflag:s4] =	dma.local [hbm:s3], $0xF7A  }
0x26: {  	[smem:$0x3F9A] =	sst s1;
	(tag) =	ssettag s2;
	_ =	strace s9  }
0x27: {  	s1 =	sld [smem:$0x3FAA]  }
0x28: {  	s2 =	sld [smem:$0x3FAB]  }
0x29: {  	s4 =	sld [smem:$0x3FAD]  }
0x2a: {  	p0 =	seq.s32 s5, $0x0;
	s5 =	sld [smem:$0x3FAE]  }
0x2b: {  	s6 =	sld [smem:$0x3FAF]  }
0x2c: {  	s7 =	sld [smem:$0x3FB0]  }
0x2d: {  	s3 =	simm.s32 $0x108;
	s8 =	sld [smem:$0x3FB1]  }
0x2e: {  	s3 =	simm.s32 @!p0 $0x1082;
	s9 =	sld [smem:$0x3FB2]  }
0x2f: {  	lr =	sadd.s32 s0, s3;
	s0 =	sld [smem:$0x3FA9]  }
0x30: {  	s3 =	sld [smem:$0x3FAC]  }
0x31: {  	[smem:$0x3FB5] =	sst s10  }
0x32: {  	s10 =	sld [smem:$0x3FB3];
	_ =	sdelay $0x3  }
0x33: {  	p0 =	seq.s32 s10, $0x1;
	s10 =	sld [smem:$0x3FB5];
	_ =	sdelay $0x3  }
0x34: {  	[smem:$0x3FB5] =	sst s10  }
0x35: {  	s10 =	sld [smem:$0x3FB4];
	_ =	sdelay $0x3  }
0x36: {  	p1 =	seq.s32 s10, $0x1;
	s10 =	sld [smem:$0x3FB5];
	_ =	sdelay $0x3  }
0x37: {  	[smem:$0x3FB5] =	sst s10  }
0x38: {  	s10 =	sld [smem:$0x3FB6]  }
0x39: {  	_ = 	snop;
	(pc) =	sbr.ind lr, $3  }
0x3a: {  	_ = 	snop  }
0x3b: {  	_ = 	snop  }
0x3c: {  	p2 =	seq.s32 s10, $0x1;
	s10 =	sld [smem:$0x3FB5]  }
0x3d: {  	_ =	shalt  }
0x3e: {  	_ =	shalt  }
0x3f: {  	_ =	shalt  }
0x40: {  	_ =	shalt  }
0x41: {  	_ =	shalt  }
0x42: {  	_ =	shalt  }
0x43: {  	_ =	shalt  }
0x44: {  	_ =	shalt  }
0x45: {  	_ =	shalt  }
0x46: {  	_ =	shalt  }
0x47: {  	_ =	shalt  }
0x48: {  	_ =	shalt  }
0x49: {  	_ =	shalt  }
0x4a: {  	_ =	shalt  }
0x4b: {  	_ =	shalt  }
0x4c: {  	_ =	shalt  }
0x4d: {  	_ =	shalt  }
0x4e: {  	_ =	shalt  }
0x4f: {  	_ =	shalt  }
0x50: {  	_ =	shalt  }
0x51: {  	_ =	shalt  }
0x52: {  	_ =	shalt  }
0x53: {  	_ =	shalt  }
0x54: {  	_ =	shalt  }
0x55: {  	_ =	shalt  }
0x56: {  	_ =	shalt  }
0x57: {  	_ =	shalt  }
0x58: {  	_ =	shalt  }
0x59: {  	_ =	shalt  }
0x5a: {  	_ =	shalt  }
0x5b: {  	_ =	shalt  }
0x5c: {  	_ =	shalt  }
0x5d: {  	_ =	shalt  }
0x5e: {  	_ =	shalt  }
0x5f: {  	_ =	shalt  }
0x60: {  	_ =	shalt  }
0x61: {  	_ =	shalt  }
0x62: {  	_ =	shalt  }
0x63: {  	_ =	shalt  }
0x64: {  	_ =	shalt  }
0x65: {  	_ =	shalt  }
0x66: {  	_ =	shalt  }
0x67: {  	_ =	shalt  }
0x68: {  	_ =	shalt  }
0x69: {  	_ =	shalt  }
0x6a: {  	_ =	shalt  }
0x6b: {  	_ =	shalt  }
0x6c: {  	_ =	shalt  }
0x6d: {  	_ =	shalt  }
0x6e: {  	_ =	shalt  }
0x6f: {  	_ =	shalt  }
0x70: {  	_ =	shalt  }
0x71: {  	_ =	shalt  }
0x72: {  	_ =	shalt  }
0x73: {  	_ =	shalt  }
0x74: {  	_ =	shalt  }
0x75: {  	_ =	shalt  }
0x76: {  	_ =	shalt  }
0x77: {  	_ =	shalt  }
0x78: {  	_ =	shalt  }
0x79: {  	_ =	shalt  }
0x7a: {  	_ =	shalt  }
0x7b: {  	_ =	shalt  }
0x7c: {  	_ =	shalt  }
0x7d: {  	_ =	shalt  }
0x7e: {  	_ =	shalt  }
0x7f: {  	_ =	shalt  }
0x80: {  	_ =	shalt  }
0x81: {  	_ =	shalt  }
0x82: {  	_ =	shalt  }
0x83: {  	_ =	shalt  }
0x84: {  	_ =	shalt  }
0x85: {  	_ =	shalt  }
0x86: {  	_ =	shalt  }
0x87: {  	_ =	shalt  }
.Lfunc_end0:
.L_simem_size_0:
called_computation.1_lowered:
.L_overlay_start_0:
0x88: {  	s2 =	sld [smem:$0x3FD9]  }
0x89: {  	s3 =	sld [smem:$0x3FFE];
	_ =	sdelay $0x1  }
0x8a: {  	s1 =	srdreg.scid  }
0x8b: {  	s0 =	sand.u32 $0x1, s1  }
0x8c: {  	s17 =	sshll.u32 s0, $0xA;
	s2 =	sadd.s32 s3, s2  }
0x8d: {  	s2 =	sadd.s32 s2, s17  }
0x8e: {  	[smem:$0x3FC1] =	sst s2  }
0x8f: {  	_ = 	snop  }
0x90: {  	s2 =	sld [smem:$0x3FC4]  }
0x91: {  	s18 =	sld [smem:$0x3FC3]  }
0x92: {  	s4 =	sld [smem:$0x3FD0];
	(tm) =	ssettm $0x1  }
0x93: {  	s5 =	sld [smem:$0x3FFB];
	_ =	sdelay $0x3  }
0x94: {  	_ =	strace s5  }
0x95: {  	s5 =	sld [smem:$0x3FFC];
	_ =	sdelay $0x3  }
0x96: {  	_ =	strace s5  }
0x97: {  	s5 =	sld [smem:$0x3FFD];
	_ =	sdelay $0x3  }
0x98: {  	_ =	strace s5  }
0x99: {  	_ =	strace $0x8FFFFFFF  }
0x9a: {  	s19 =	sld [smem:$0x3FDB];
	_ =	sdelay $0x1  }
0x9b: {  	s6 =	simm.s32 $_scs_section_size  }
0x9c: {  	s7 =	simm.s32 $_size__tile_overlayer_lowered;
	s8 =	simm.s32 $_tile_overlayer_lowered  }
0x9d: {  	s22 =	simm.s32 $0x1BFF;
	s21 =	sshll.u32 s8, $0x1;
	s5 =	sadd.s32 s6, s19  }
0x9e: {  	s9 =	simm.s32 $0x0;
	s20 =	sshll.u32 s7, $0x1;
	s7 =	sadd.s32 s21, s5  }
0x9f: {  	[timem:s9], [sflag:s22] =	dma.local [hbm:s7], s20  }
0xa0: {  	_ =	swait.ge [sflag:s22], s20  }
0xa1: {  	s6 =	ssub.s32 $0x0, s20;
	[sflag:s22] =	ssyncset.done $0x0  }
0xa2: {  	[sflag:s22] =	ssyncadd.s32 s6;
	_ =	sdelay $0x1  }
0xa3: {  	s23 =	simm.s32 $0x1B8B  }
0xa4: {  	_ =	swait.ge [sflag:s23], $0x1  }
0xa5: {  	[sflag:s23] =	ssyncset.done $0x0  }
0xa6: {  	s25 =	simm.s32 $0x1B8E;
	s24 =	sld [smem:$0x3FFE];
	[sflag:s23] =	ssyncadd.s32 $0xFFFFFFFF  }
0xa7: {  	s26 =	simm.s32 $execute0_lowered;
	[smem:$0x3FD2] =	sst s25  }
0xa8: {  	s7 =	sshll.u32 s26, $0x1;
	_ =	strace $0x80000046;
	[dreg:$0x1] =	wrdreg $0xFFFFFFFF  }
0xa9: {  	s28 =	simm.s32 $_size_execute0_lowered;
	s5 =	sadd.s32 s5, s7;
	[dreg:$0x0] =	wrdreg $0x0  }
0xaa: {  	s7 =	sshll.u32 s28, $0x1;
	[dreg:$0x2] =	wrdreg s5  }
0xab: {  	[dreg:$0x3] =	wrdreg s7  }
0xac: {  	[dreg:$0x4] =	wrdreg $0xC0  }
0xad: {  	_ =	task [dreg:s9], $0x5FFFF  }
0xae: {  	[dreg:$0x1] =	wrdreg $0xFFFFFFFF  }
0xaf: {  	[dreg:$0x0] =	wrdreg $0x60  }
0xb0: {  	[dreg:$0x2] =	wrdreg s24  }
0xb1: {  	[dreg:$0x3] =	wrdreg s2  }
0xb2: {  	[dreg:$0x4] =	wrdreg s18  }
0xb3: {  	[dreg:$0x5] =	wrdreg s4  }
0xb4: {  	[dreg:$0x6] =	wrdreg $0x9  }
0xb5: {  	_ =	task.clear_ibuf [dreg:s9], $0x7FFFF;
	_ =	strace $0x90000046  }
0xb6: {  	s29 =	simm.s32 $0x9;
	_ =	strace $0x80000048  }
0xb7: {  	_ =	swait.ge [sflag:s29], $0x1  }
0xb8: {  	[sflag:s29] =	ssyncadd.s32 $0xFFFFFFFF  }
0xb9: {  	_ =	strace $0x90000048  }
0xba: {  	_ =	sfence  }
0xbb: {  	s30 =	sld [smem:$0x0];
	_ =	sdelay $0x2  }
0xbc: {  	s31 =	sshll.u32 s1, $0xD;
	s1 =	sshrl.u32 s1, $0x2  }
0xbd: {  	s3 =	sand.u32 $0x4000, s31;
	s1 =	sadd.s32 s1, s30  }
0xbe: {  	s0 =	sor.u32 s3, s0;
	s1 =	sshll.u32 s1, $0x11  }
0xbf: {  	s0 =	sor.u32 s1, s0  }
0xc0: {  	s0 =	sadd.s32 $0x8F2B, s0  }
0xc1: {  	[sflag:s0] =	ssyncadd.remote.s32 $0x1  }
0xc2: {  	_ =	sfence.sel $0xFFFF  }
0xc3: {  	[dreg:$0x0] =	wrdreg $0xFFFFFFFF;
	(pc) =	sbr.abs _section_cstart, $3  }
0xc4: {  	[dreg:$0x1] =	wrdreg $0xFFFFFFFF  }
0xc5: {  	_ =	task.clear_ibuf [dreg:s9], $0x2FFFF;
	_ =	strace $0x9FFFFFFF  }
0xc6: {  	(tm) =	ssettm $0x7FFFFFFF  }
0xc7: {  	_ =	shalt  }
tec
execute0_lowered:
.L_overlay_start_1:
0x0: {  	(tag) =	ssettag $0x1  }
0x1: {  	s0 =	rddreg [dreg:$0x0]  }
0x2: {  	s3 =	rddreg [dreg:$0x3]  }
0x3: {  	s4 =	simm.s32 $0x0;
	s1 =	srdreg.scid;
	s9 =	stileid.u32  }
0x4: {  	s15 =	simm.s32 $0x2;
	s19 =	simm.s32 $0x3300;
	s20 =	simm.s32 $0x80  }
0x5: {  	s21 =	simm.s32 $0x3710;
	s22 =	simm.s32 $0x3380;
	s23 =	simm.s32 $0x5710  }
0x6: {  	s24 =	simm.s32 $0x3400;
	s25 =	simm.s32 $0x7710;
	s28 =	simm.s32 $0x9710  }
0x7: {  	s29 =	simm.s32 $0x1;
	s30 =	simm.s32 $0x0;
	[smem:$0x7FF] =	sst s4  }
0x8: {  	s6 =	sadd.s32 $0x1A400, s0;
	s7 =	sadd.s32 $0x1400, s0;
	s8 =	sadd.s32 $0x33400, s0  }
0x9: {  	s1 =	sand.u32 $0x1, s1;
	s2 =	smul.u32 $0xC80000, s9;
	s5 =	sadd.s32 $0xC00, s0  }
0xa: {  	s0 =	sadd.s32 $0xA00, s0;
	s11 =	sshll.u32 s9, $0x1;
	s13 =	smul.u32 $0xC800, s9  }
0xb: {  	_ =	strace $0x80000047;
	[dreg:$0x5] =	wrdreg s5;
	s26 =	smul.u32 $0x640000, s1  }
0xc: {  	s31 =	ssub.s32 $0x2, s1;
	s11 =	sor.u32 s1, s11;
	s1 =	smul.u32 $0x6400, s1  }
0xd: {  	[dreg:$0x6] =	wrdreg s0;
	s12 =	sshrl.u32 s31, $0x1;
	s11 =	smul.u32 $0x6400, s11  }
0xe: {  	s5 =	ssub.s32 s31, s12;
	s0 =	sadd.s32 s26, s2;
	s18 =	sadd.s32 s1, s13  }
0xf: {  	s26 =	simm.s32 $0x3480;
	s12 =	smax.u32 s5, $0x1;
	s0 =	sshrl.u32 s0, $0x2  }
.LBB2_1:
0x10: {  	s1 =	rddreg [dreg:$0x5]  }
0x11: {  	[tilespmem:s4], [sflag:$0x2] =	stream.linear.gather [hbm4b:s1+s4], $0x3200, $0x38;
	[tilespmem:$0xB710] =	vst v63  }
0x12: {  	_ =	swait.ge [sflag:s15], $0x3200  }
0x13: {  	[sflag:s15] =	ssyncset.done $0x0  }
0x14: {  	s2 =	simm.s32 $0x3200;
	s13 =	rddreg [dreg:$0x6];
	[sflag:s15] =	ssyncadd.s32 $0xFFFFCE00  }
0x15: {  	[tilespmem:s2], [sflag:$0x2] =	stream.linear.gather [hbm4b:s13+s4], $0x80, $0x38;
	[tilespmem:$0xB710] =	vst v63  }
0x16: {  	_ =	swait.ge [sflag:s15], $0x80  }
0x17: {  	[sflag:s15] =	ssyncset.done $0x0  }
0x18: {  	[sflag:s15] =	ssyncadd.s32 $0xFFFFFF80  }
0x19: {  	s16 =	simm.s32 $0x3280;
	s14 =	rddreg [dreg:$0x1]  }
0x1a: {  	[tilespmem:s16], [sflag:$0x2] =	stream.linear.gather [hbm4b:s14+s4], $0x40, $0x38;
	[tilespmem:$0xB710] =	vst v63  }
0x1b: {  	_ =	swait.ge [sflag:s15], $0x40  }
0x1c: {  	[sflag:s15] =	ssyncset.done $0x0  }
0x1d: {  	[sflag:s15] =	ssyncadd.s32 $0xFFFFFFC0  }
0x1e: {  	s31 =	simm.s32 $0x32C0;
	s17 =	rddreg [dreg:$0x2]  }
0x1f: {  	[tilespmem:s31], [sflag:$0x2] =	stream.linear.gather [hbm4b:s17+s4], $0x40, $0x38;
	[tilespmem:$0xB710] =	vst v63  }
0x20: {  	_ =	swait.ge [sflag:s15], $0x40  }
0x21: {  	[sflag:s15] =	ssyncset.done $0x0  }
0x22: {  	[sflag:s15] =	ssyncadd.s32 $0xFFFFFFC0  }
0x23: {  	v0 =	vld [tilespmem:$0x3200]  }
0x24: {  	v1 =	vld [tilespmem:$0x3210]  }
0x25: {  	v2 =	vld [tilespmem:$0x3220]  }
0x26: {  	v3 =	vld [tilespmem:$0x3230]  }
0x27: {  	v10 =	vld [tilespmem:$0x3240]  }
0x28: {  	v11 =	vld [tilespmem:$0x3250]  }
0x29: {  	v13 =	vld [tilespmem:$0x3260]  }
0x2a: {  	v14 =	vld [tilespmem:$0x3270]  }
0x2b: {  	v4 =	vld [tilespmem:$0x3280]  }
0x2c: {  	v5 =	vld [tilespmem:$0x3290]  }
0x2d: {  	v6 =	vld [tilespmem:$0x32A0]  }
0x2e: {  	v7 =	vld [tilespmem:$0x32B0]  }
0x2f: {  	v8 =	vld [tilespmem:$0x32C0]  }
0x30: {  	v9 =	vld [tilespmem:$0x32D0]  }
0x31: {  	v12 =	vld [tilespmem:$0x32E0];
	v10 =	vsub.f32 v10, v0;
	v11 =	vsub.f32 v11, v1  }
0x32: {  	s5 =	simm.s32 $0x0;
	s13 =	smov.u32 s0;
	s14 =	smov.u32 s18;
	v15 =	vld [tilespmem:$0x32F0];
	v13 =	vsub.f32 v13, v2;
	v14 =	vsub.f32 v14, v3  }
.LBB2_2:
0x33: {  	s1 =	sshll.u32 s5, $0x9  }
0x34: {  	s1 =	sadd.s32 s11, s1  }
0x35: {  	s2 =	sshrl.u32 s1, $0x3  }
0x36: {  	s17 =	simm.s32 $0x0;
	s16 =	sadd.s32 s6, s2  }
0x37: {  	[tilespmem:s19], [sflag:$0x2] =	stream.linear.gather [hbm4b:s16+s17], $0x200, $0x38;
	[tilespmem:$0xB710] =	vst v63  }
0x38: {  	_ =	swait.ge [sflag:s15], $0x200  }
0x39: {  	[sflag:s15] =	ssyncset.done $0x0  }
0x3a: {  	s10 =	sadd.s32 s7, s2;
	s2 =	simm.s32 $0x3500;
	[sflag:s15] =	ssyncadd.s32 $0xFFFFFE00  }
0x3b: {  	[tilespmem:s2], [sflag:$0x2] =	stream.linear.gather [hbm4b:s10+s17], $0x200, $0x38;
	[tilespmem:$0xB710] =	vst v63  }
0x3c: {  	_ =	swait.ge [sflag:s15], $0x200  }
0x3d: {  	[sflag:s15] =	ssyncset.done $0x0  }
0x3e: {  	[sflag:s15] =	ssyncadd.s32 $0xFFFFFE00  }
0x3f: {  	[tilespmem:s21], [sflag:$0x1] =	stream.indirect.gather [hbm4b:s8+s20], $0x40, s19, s20, $0xb8;
	[tilespmem:$0xB710] =	vst v63  }
0x40: {  	_ = 	snop  }
0x41: {  	[tilespmem:s23], [sflag:$0x1] =	stream.indirect.gather [hbm4b:s8+s20], $0x40, s22, s20, $0xb8;
	[tilespmem:$0xB710] =	vst v63  }
0x42: {  	_ = 	snop  }
0x43: {  	[tilespmem:s25], [sflag:$0x1] =	stream.indirect.gather [hbm4b:s8+s20], $0x40, s24, s20, $0xb8;
	[tilespmem:$0xB710] =	vst v63  }
0x44: {  	_ = 	snop  }
0x45: {  	[tilespmem:s28], [sflag:$0x1] =	stream.indirect.gather [hbm4b:s8+s20], $0x40, s26, s20, $0xb8;
	[tilespmem:$0xB710] =	vst v63  }
0x46: {  	_ =	swait.ge [sflag:s29], $0x2000  }
0x47: {  	[sflag:s29] =	ssyncset.done $0x0  }
0x48: {  	[sflag:s29] =	ssyncadd.s32 $0xFFFFE000  }
0x49: {  	_ =	swait.ge [sflag:s29], $0x2000  }
0x4a: {  	[sflag:s29] =	ssyncset.done $0x0  }
0x4b: {  	[sflag:s29] =	ssyncadd.s32 $0xFFFFE000  }
0x4c: {  	_ =	swait.ge [sflag:s29], $0x2000  }
0x4d: {  	[sflag:s29] =	ssyncset.done $0x0  }
0x4e: {  	[sflag:s29] =	ssyncadd.s32 $0xFFFFE000  }
0x4f: {  	s17 =	smulhi.u32 $0x51EB851F, s14;
	_ =	swait.ge [sflag:s29], $0x2000  }
0x50: {  	[sflag:s29] =	ssyncset.done $0x0  }
0x51: {  	s16 =	simm.s32 $0x0;
	s9 =	sshrl.u32 s17, $0x6;
	[sflag:s29] =	ssyncadd.s32 $0xFFFFE000  }
0x52: {  	s17 =	smul.u32 $0xFFFF3800, s9;
	v16 =	vld [tilespmem:s16+$0x3740]  }
0x53: {  	v17 =	vld [tilespmem:s16+$0x3710]  }
0x54: {  	s17 =	sshra.s32 s17, $0x2;
	v18 =	vld [tilespmem:s16+$0x3730]  }
0x55: {  	s17 =	sadd.s32 s17, s13;
	v19 =	vld.msk [tilespmem:s2+$0x0 ss:$0x0], $0xffff  }
0x56: {  	s17 =	sadd.s32 $0x0, s17;
	v20 =	vld [tilespmem:s16+$0x3720]  }
0x57: {  	v21 =	vld [tilespmem:s17+$0x30]  }
0x58: {  	v22 =	vld [tilespmem:s17+$0x20]  }
0x59: {  	v23 =	vld [tilespmem:s17+$0x10]  }
0x5a: {  	v24 =	vld [tilespmem:s17+$0x0];
	_ =	sdelay $0x2  }
0x5b: {  	v16 =	vadd.f32 v21, v16  }
0x5c: {  	v18 =	vadd.f32 v22, v18;
	v20 =	vadd.f32 v23, v20  }
0x5d: {  	v21 =	vmul.f32 v19, v13;
	v17 =	vadd.f32 v24, v17;
	v22 =	vmul.f32 v19, v14  }
0x5e: {  	v23 =	vmul.f32 v19, v11;
	v16 =	vadd.f32 v16, v3;
	v18 =	vadd.f32 v18, v2  }
0x5f: {  	v19 =	vmul.f32 v19, v10;
	v20 =	vadd.f32 v20, v1;
	v17 =	vadd.f32 v17, v0  }
0x60: {  	v18 =	vadd.f32 v18, v21;
	v16 =	vadd.f32 v16, v22  }
0x61: {  	v17 =	vadd.f32 v17, v19;
	v20 =	vadd.f32 v20, v23  }
0x62: {  	v19 =	vmul.f32 v18, v18  }
0x63: {  	v21 =	vadd.f32 v16, v18;
	v22 =	vmul.f32 v16, v16;
	v23 =	vadd.f32 v20, v17  }
0x64: {  	v63 =	vmul.f32 v17, v17;
	v25 =	vmul.f32 v20, v20  }
0x65: {  	v21 =	vadd.f32 v21, v23  }
0x66: {  	v19 =	vadd.f32 v22, v19;
	v22 =	vadd.f32 v25, v63  }
0x67: {  	(xrf2) =	vadd.scan.msk.f32 $0xffff, v21  }
0x68: {  	v19 =	vadd.f32 v19, v22;
	_ =	sdelay $0x1  }
0x69: {  	(xrf2) =	vadd.scan.msk.f32 $0xffff, v19;
	_ =	sdelay $0x6  }
0x6a: {  	v19, _, _ =	vpop (xrf2)  }
0x6b: {  	(v2sf) =	vpush v19, $0xF;
	_ =	sdelay $0x1  }
0x6c: {  	v19, _, _ =	vpop (xrf2)  }
0x6d: {  	(v2sf) =	vpush v19, $0xF;
	_ =	sdelay $0xb  }
0x6e: {  	s10 =	spop (v2sf)  }
0x6f: {  	s17 =	smul.f32 $1.562500000e-02, s10;
	_ =	sdelay $0x1  }
0x70: {  	s9 =	spop (v2sf);
	s31 =	smul.f32 s17, s17  }
0x71: {  	s9 =	smul.f32 $1.562500000e-02, s9;
	_ =	sdelay $0x1  }
0x72: {  	s9 =	ssub.f32 s9, s31;
	_ =	sdelay $0x1  }
0x73: {  	s9 =	sadd.f32 $9.999999740e-06, s9;
	_ =	sdelay $0x1  }
0x74: {  	v19 =	vmov s9  }
0x75: {  	v21 =	vshra.s32 v19, $0x1;
	v19 =	vmul.f32 $5.000000000e-01, v19  }
0x76: {  	v21 =	vsub.s32 $0x5F3759DF, v21  }
0x77: {  	v22 =	vmul.f32 v21, v19;
	_ =	sdelay $0x1  }
0x78: {  	v22 =	vmul.f32 v21, v22;
	_ =	sdelay $0x1  }
0x79: {  	v22 =	vsub.f32 $1.500000000e+00, v22;
	_ =	sdelay $0x1  }
0x7a: {  	v21 =	vmul.f32 v21, v22;
	_ =	sdelay $0x1  }
0x7b: {  	v22 =	vmul.f32 v21, v19;
	_ =	sdelay $0x1  }
0x7c: {  	v22 =	vmul.f32 v22, v21;
	_ =	sdelay $0x1  }
0x7d: {  	v22 =	vsub.f32 $1.500000000e+00, v22;
	_ =	sdelay $0x1  }
0x7e: {  	v21 =	vmul.f32 v22, v21;
	_ =	sdelay $0x1  }
0x7f: {  	v19 =	vmul.f32 v21, v19;
	_ =	sdelay $0x1  }
0x80: {  	v19 =	vmul.f32 v19, v21;
	_ =	sdelay $0x1  }
0x81: {  	v22 =	vmov s17;
	v23 =	vsub.f32 $1.500000000e+00, v19  }
0x82: {  	v17 =	vsub.f32 v17, v22;
	v18 =	vsub.f32 v18, v22  }
0x83: {  	s31 =	smov.u32 s14;
	s17 =	simm.s32 $0x100;
	v19 =	vsub.f32 v16, v22;
	v16 =	vsub.f32 v20, v22;
	v20 =	vmul.f32 v23, v21  }
.LBB2_3:
0x84: {  	p0 =	sne.s32 s17, $0x1FF00;
	s2 =	sadd.s32 $0x1, s2;
	s31 =	sadd.s32 $0x1, s31  }
0x85: {  	s9 =	smov.u32 s17;
	s17 =	sadd.s32 $0x100, s17;
	v17 =	vmul.f32 v20, v17;
	v19 =	vmul.f32 v20, v19  }
0x86: {  	s10 =	smulhi.u32 $0x51EB851F, s31;
	v16 =	vmul.f32 v20, v16;
	v18 =	vmul.f32 v20, v18  }
0x87: {  	v17 =	vmul.f32 v17, v4;
	v19 =	vmul.f32 v19, v7  }
0x88: {  	s10 =	sshrl.u32 s10, $0x6;
	v16 =	vmul.f32 v16, v5;
	v18 =	vmul.f32 v18, v6  }
0x89: {  	s10 =	smul.u32 $0xFFFF3800, s10;
	v17 =	vadd.f32 v17, v8;
	v19 =	vadd.f32 v19, v15  }
0x8a: {  	s9 =	sshra.s32 s9, $0x2;
	v16 =	vadd.f32 v16, v9;
	v18 =	vadd.f32 v18, v12  }
0x8b: {  	s10 =	sshra.s32 s10, $0x2;
	[tilespmem:s16+$0x3740] =	vst v19  }
0x8c: {  	s10 =	sadd.s32 s10, s13;
	v19 =	vld [tilespmem:s9+$0x3740];
	[tilespmem:s16+$0x3710] =	vst v17  }
0x8d: {  	s10 =	sadd.s32 s9, s10;
	v17 =	vld [tilespmem:s9+$0x3710];
	[tilespmem:s16+$0x3730] =	vst v18  }
0x8e: {  	v18 =	vld [tilespmem:s9+$0x3730];
	[tilespmem:s16+$0x3720] =	vst v16;
	s16 =	smov.u32 s9  }
0x8f: {  	v16 =	vld.msk [tilespmem:s2+$0x0 ss:$0x0], $0xffff  }
0x90: {  	v20 =	vld [tilespmem:s16+$0x3720]  }
0x91: {  	v21 =	vld [tilespmem:s10+$0x30]  }
0x92: {  	v22 =	vld [tilespmem:s10+$0x20]  }
0x93: {  	v23 =	vld [tilespmem:s10+$0x10]  }
0x94: {  	v24 =	vld [tilespmem:s10+$0x0];
	_ =	sdelay $0x1  }
0x95: {  	v19 =	vadd.f32 v21, v19  }
0x96: {  	v21 =	vmul.f32 v16, v13;
	v18 =	vadd.f32 v22, v18  }
0x97: {  	v22 =	vmul.f32 v16, v14;
	v20 =	vadd.f32 v23, v20;
	v19 =	vadd.f32 v19, v3  }
0x98: {  	v17 =	vadd.f32 v24, v17;
	v18 =	vadd.f32 v18, v2  }
0x99: {  	v23 =	vmul.f32 v16, v11;
	v20 =	vadd.f32 v20, v1  }
0x9a: {  	v16 =	vmul.f32 v16, v10;
	v17 =	vadd.f32 v17, v0;
	v18 =	vadd.f32 v18, v21  }
0x9b: {  	v19 =	vadd.f32 v19, v22  }
0x9c: {  	v20 =	vadd.f32 v20, v23;
	v16 =	vadd.f32 v17, v16;
	v17 =	vmul.f32 v18, v18  }
0x9d: {  	v22 =	vmul.f32 v19, v19;
	v21 =	vadd.f32 v19, v18  }
0x9e: {  	v25 =	vmul.f32 v20, v20;
	v23 =	vadd.f32 v20, v16;
	v24 =	vmul.f32 v16, v16  }
0x9f: {  	v17 =	vadd.f32 v22, v17  }
0xa0: {  	v21 =	vadd.f32 v21, v23;
	v22 =	vadd.f32 v25, v24;
	_ =	sdelay $0x1  }
0xa1: {  	v17 =	vadd.f32 v17, v22;
	(xrf2) =	vadd.scan.msk.f32 $0xffff, v21;
	_ =	sdelay $0x2  }
0xa2: {  	(xrf2) =	vadd.scan.msk.f32 $0xffff, v17;
	_ =	sdelay $0x6  }
0xa3: {  	v17, _, _ =	vpop (xrf2)  }
0xa4: {  	(v2sf) =	vpush v17, $0xF;
	_ =	sdelay $0x1  }
0xa5: {  	v17, _, _ =	vpop (xrf2)  }
0xa6: {  	(v2sf) =	vpush v17, $0xF;
	_ =	sdelay $0xb  }
0xa7: {  	s9 =	spop (v2sf)  }
0xa8: {  	s9 =	smul.f32 $1.562500000e-02, s9;
	_ =	sdelay $0x1  }
0xa9: {  	s10 =	smul.f32 s9, s9;
	v21 =	vmov s9;
	s9 =	spop (v2sf)  }
0xaa: {  	s9 =	smul.f32 $1.562500000e-02, s9;
	v17 =	vsub.f32 v16, v21;
	v19 =	vsub.f32 v19, v21  }
0xab: {  	v16 =	vsub.f32 v20, v21;
	v18 =	vsub.f32 v18, v21  }
0xac: {  	s9 =	ssub.f32 s9, s10;
	_ =	sdelay $0x1  }
0xad: {  	s9 =	sadd.f32 $9.999999740e-06, s9;
	_ =	sdelay $0x1  }
0xae: {  	v20 =	vmov s9  }
0xaf: {  	v21 =	vshra.s32 v20, $0x1;
	v20 =	vmul.f32 $5.000000000e-01, v20  }
0xb0: {  	v21 =	vsub.s32 $0x5F3759DF, v21  }
0xb1: {  	v22 =	vmul.f32 v21, v20;
	_ =	sdelay $0x1  }
0xb2: {  	v22 =	vmul.f32 v21, v22;
	_ =	sdelay $0x1  }
0xb3: {  	v22 =	vsub.f32 $1.500000000e+00, v22;
	_ =	sdelay $0x1  }
0xb4: {  	v21 =	vmul.f32 v21, v22;
	_ =	sdelay $0x1  }
0xb5: {  	v22 =	vmul.f32 v21, v20;
	_ =	sdelay $0x1  }
0xb6: {  	v22 =	vmul.f32 v22, v21;
	_ =	sdelay $0x1  }
0xb7: {  	v22 =	vsub.f32 $1.500000000e+00, v22;
	_ =	sdelay $0x1  }
0xb8: {  	v21 =	vmul.f32 v22, v21;
	_ =	sdelay $0x1  }
0xb9: {  	v20 =	vmul.f32 v21, v20;
	_ =	sdelay $0x1  }
.Ltmp0:
0xba: {  	v20 =	vmul.f32 v20, v21;
	(pc) =	sbr.rel @p0 .LBB2_3-.Ltmp0, $3  }
0xbb: {  	_ = 	snop  }
0xbc: {  	v20 =	vsub.f32 $1.500000000e+00, v20;
	_ =	sdelay $0x1  }
0xbd: {  	v20 =	vmul.f32 v20, v21  }
0xbe: {  	_ = 	snop  }
0xbf: {  	v19 =	vmul.f32 v20, v19  }
0xc0: {  	v17 =	vmul.f32 v20, v17  }
0xc1: {  	v18 =	vmul.f32 v20, v18;
	v19 =	vmul.f32 v19, v7  }
0xc2: {  	v16 =	vmul.f32 v20, v16;
	v17 =	vmul.f32 v17, v4  }
0xc3: {  	v18 =	vmul.f32 v18, v6;
	v19 =	vadd.f32 v19, v15  }
0xc4: {  	v16 =	vmul.f32 v16, v5;
	v17 =	vadd.f32 v17, v8  }
0xc5: {  	v18 =	vadd.f32 v18, v12;
	[tilespmem:s16+$0x3740] =	vst v19  }
0xc6: {  	s5 =	sadd.s32 $0x1, s5;
	v16 =	vadd.f32 v16, v9;
	[tilespmem:s16+$0x3710] =	vst v17  }
0xc7: {  	s1 =	sshll.u32 s1, $0x3;
	p0 =	sne.s32 s5, $0x32;
	[tilespmem:s16+$0x3730] =	vst v18  }
.Ltmp1:
0xc8: {  	s1 =	sadd.s32 s3, s1;
	[tilespmem:s16+$0x3720] =	vst v16;
	(pc) =	sbr.rel @p0 .LBB2_2-.Ltmp1, $4  }
0xc9: {  	[hbm4b:s1+s4] =	stream.linear.scatter [tilespmem:s21], [sflag:$0x2], $0x8000, $0x38;
	[tilespmem:$0xB710] =	vst v63  }
0xca: {  	_ =	swait.ge [sflag:s15], $0x8000  }
0xcb: {  	[sflag:s15] =	ssyncset.done $0x0  }
0xcc: {  	s13 =	sadd.s32 $0x8000, s13;
	s14 =	sadd.s32 $0x200, s14;
	[sflag:s15] =	ssyncadd.s32 $0xFFFF8000  }
0xcd: {  	s30 =	sadd.s32 $0x1, s30  }
0xce: {  	p0 =	sne.s32 s30, s12  }
.Ltmp2:
0xcf: {  	_ = 	snop;
	(pc) =	sbr.rel @p0 .LBB2_1-.Ltmp2, $1  }
0xd0: {  	_ =	sdelay $0x3  }
0xd1: {  	_ =	sfence.sel $0x180000  }
0xd2: {  	[bflag:$0x0] =	sbarrier.arrive $0xFFFF  }
0xd3: {  	_ =	strace $0x90000047  }
0xd4: {  	s0 =	stileid.u32;
	[bflag:$0x2] =	sbarrier.arrive $0xFFFF  }
0xd5: {  	p0 =	sne.s32 s0, $0x0;
	s0 =	rddreg [dreg:$0x4]  }
0xd6: {  	s0 =	sadd.s32 @!p0 $0x100000, s0  }
0xd7: {  	[sflag:s0] =	ssyncadd.tile.s32 @!p0 $0x1;
	_ =	shalt  }
.Lfunc_end2:
_tile_overlayer_lowered:
.L_overlay_start_2:
0xd8: {  	(tag) =	ssettag $0x2  }
0xd9: {  	s0 =	rddreg [dreg:$0x0];
	s2 =	stileid.u32  }
0xda: {  	s1 =	rddreg [dreg:$0x1];
	p0 =	sne.s32 s2, $0x0  }
0xdb: {  	s3 =	rddreg [dreg:$0x2];
	[bflag:$0x3] =	sbarrier.arrive $0xFFFF;
	s2 =	simm.s32 @!p0 $0x1C02  }
0xdc: {  	[timem:s3], [sflag:s2] =	dma.local @!p0 [hbm:s0], s1  }
0xdd: {  	s0 =	simm.s32 @!p0 $0x2  }
0xde: {  	_ =	swait.ge @!p0 [sflag:s0], s1  }
0xdf: {  	s1 =	ssub.s32 @!p0 $0x0, s1;
	[sflag:s0] =	ssyncset.done @!p0 $0x0  }
0xe0: {  	[sflag:s0] =	ssyncadd.s32 @!p0 s1  }
0xe1: {  	[bflag:$0x3] =	sbarrier.arrive $0xFFFF  }
0xe2: {  	_ =	shalt  }

// kernel: sparse-core-data-format-call.cloned.1.call-start
scs
called_computation_lowered:
.L_overlay_start_0:
0x0: {  	s2 =	sld [smem:$0x3FD9]  }
0x1: {  	s3 =	sld [smem:$0x3FFE];
	_ =	sdelay $0x1  }
0x2: {  	s1 =	srdreg.scid  }
0x3: {  	s0 =	sand.u32 $0x1, s1  }
0x4: {  	s18 =	sshll.u32 s0, $0xA;
	s2 =	sadd.s32 s3, s2  }
0x5: {  	s2 =	sadd.s32 s2, s18  }
0x6: {  	[smem:$0x3FC1] =	sst s2  }
0x7: {  	_ = 	snop  }
0x8: {  	s2 =	sld [smem:$0x3FD0];
	(tm) =	ssettm $0x1  }
0x9: {  	s19 =	sld [smem:$0x3FFB];
	_ =	sdelay $0x3  }
0xa: {  	_ =	strace s19  }
0xb: {  	s3 =	sld [smem:$0x3FFC];
	_ =	sdelay $0x3  }
0xc: {  	_ =	strace s3  }
0xd: {  	s3 =	sld [smem:$0x3FFD];
	_ =	sdelay $0x3  }
0xe: {  	_ =	strace s3  }
0xf: {  	_ =	strace $0x8FFFFFFF  }
0x10: {  	s20 =	sld [smem:$0x3FDB];
	_ =	sdelay $0x1  }
0x11: {  	s4 =	simm.s32 $_scs_section_size  }
0x12: {  	s5 =	simm.s32 $_size__tile_overlayer_lowered;
	s6 =	simm.s32 $_tile_overlayer_lowered  }
0x13: {  	s23 =	simm.s32 $0x1BFF;
	s22 =	sshll.u32 s6, $0x1;
	s3 =	sadd.s32 s4, s20  }
0x14: {  	s7 =	simm.s32 $0x0;
	s21 =	sshll.u32 s5, $0x1;
	s5 =	sadd.s32 s22, s3  }
0x15: {  	[timem:s7], [sflag:s23] =	dma.local [hbm:s5], s21  }
0x16: {  	_ =	swait.ge [sflag:s23], s21  }
0x17: {  	s4 =	ssub.s32 $0x0, s21;
	[sflag:s23] =	ssyncset.done $0x0  }
0x18: {  	[sflag:s23] =	ssyncadd.s32 s4;
	_ =	sdelay $0x1  }
0x19: {  	s24 =	simm.s32 $0x1B8B  }
0x1a: {  	_ =	swait.ge [sflag:s24], $0x1  }
0x1b: {  	[sflag:s24] =	ssyncset.done $0x0  }
0x1c: {  	s26 =	simm.s32 $0x1B8E;
	s25 =	sld [smem:$0x3FFE];
	[sflag:s24] =	ssyncadd.s32 $0xFFFFFFFF  }
0x1d: {  	s27 =	simm.s32 $execute0_lowered;
	[smem:$0x3FD2] =	sst s26  }
0x1e: {  	s5 =	sshll.u32 s27, $0x1;
	_ =	strace $0x80000049;
	[dreg:$0x1] =	wrdreg $0xFFFFFFFF  }
0x1f: {  	s28 =	simm.s32 $_size_execute0_lowered;
	s3 =	sadd.s32 s3, s5;
	[dreg:$0x0] =	wrdreg $0x0  }
0x20: {  	s5 =	sshll.u32 s28, $0x1;
	[dreg:$0x2] =	wrdreg s3  }
0x21: {  	[dreg:$0x3] =	wrdreg s5  }
0x22: {  	[dreg:$0x4] =	wrdreg $0xC0  }
0x23: {  	_ =	task [dreg:s7], $0x5FFFF  }
0x24: {  	[dreg:$0x1] =	wrdreg $0xFFFFFFFF  }
0x25: {  	[dreg:$0x0] =	wrdreg $0x60  }
0x26: {  	[dreg:$0x2] =	wrdreg s25  }
0x27: {  	[dreg:$0x3] =	wrdreg s2  }
0x28: {  	[dreg:$0x4] =	wrdreg $0x9  }
0x29: {  	_ =	task.clear_ibuf [dreg:s7], $0x5FFFF;
	_ =	strace $0x90000049  }
0x2a: {  	s29 =	simm.s32 $0x9;
	_ =	strace $0x8000004B  }
0x2b: {  	_ =	swait.ge [sflag:s29], $0x1  }
0x2c: {  	[sflag:s29] =	ssyncadd.s32 $0xFFFFFFFF  }
0x2d: {  	_ =	strace $0x9000004B  }
0x2e: {  	_ =	sfence  }
0x2f: {  	s30 =	sld [smem:$0x0];
	_ =	sdelay $0x2  }
0x30: {  	s31 =	sshll.u32 s1, $0xD;
	s1 =	sshrl.u32 s1, $0x2  }
0x31: {  	s3 =	sand.u32 $0x4000, s31;
	s1 =	sadd.s32 s1, s30  }
0x32: {  	s0 =	sor.u32 s3, s0;
	s1 =	sshll.u32 s1, $0x11  }
0x33: {  	s0 =	sor.u32 s1, s0  }
0x34: {  	s0 =	sadd.s32 $0x8F2B, s0  }
0x35: {  	[sflag:s0] =	ssyncadd.remote.s32 $0x1  }
0x36: {  	_ =	sfence.sel $0xFFFF  }
0x37: {  	[dreg:$0x0] =	wrdreg $0xFFFFFFFF;
	(pc) =	sbr.abs _section_cstart, $3  }
0x38: {  	[dreg:$0x1] =	wrdreg $0xFFFFFFFF  }
0x39: {  	_ =	task.clear_ibuf [dreg:s7], $0x2FFFF;
	_ =	strace $0x9FFFFFFF  }
0x3a: {  	(tm) =	ssettm $0x7FFFFFFF  }
0x3b: {  	_ =	shalt  }
tec
execute0_lowered:
.L_overlay_start_1:
0x0: {  	(tag) =	ssettag $0x1  }
0x1: {  	s0 =	srdreg.scid  }
0x2: {  	s1 =	sshll.u32 s0, $0x4  }
0x3: {  	s0 =	stileid.u32;
	s1 =	sand.u32 $0x10, s1  }
0x4: {  	s1 =	sor.u32 s0, s1  }
0x5: {  	s6 =	rddreg [dreg:$0x0];
	s4 =	simm.s32 $0x1;
	s2 =	sshll.u32 s1, $0x7  }
0x6: {  	s7 =	simm.s32 $0x2;
	s12 =	simm.s32 $0x0;
	s1 =	ssub.s32 $0x1000, s2  }
0x7: {  	s8 =	simm.s32 $0x8000;
	s13 =	simm.s32 $0x0;
	s3 =	sand.u32 $0xF80, s1  }
0x8: {  	s9 =	simm.s32 $0x0;
	s5 =	sshrl.u32 s1, $0xC;
	p0 =	sne.s32 s3, $0x0  }
.Ltmp0:
0x9: {  	s1 =	rddreg [dreg:$0x2];
	s4 =	simm.s32 @!p0 $0x0;
	(pc) =	sbr.rel .LBB1_1-.Ltmp0, $4  }
0xa: {  	s11 =	simm.s32 $0x0;
	s3 =	rddreg [dreg:$0x1];
	s5 =	sadd.s32 s4, s5  }
0xb: {  	_ =	strace $0x8000004A;
	s4 =	simm.s32 $0x1;
	s5 =	smul.u32 $0xC8, s5  }
0xc: {  	s6 =	sadd.s32 $0xA00, s6;
	s10 =	smov.u32 s2;
	[sflag:s4] =	ssyncpa.u1 $0x0  }
0xd: {  	p0 =	por $0x0, $0x0;
	[sflag:s7] =	ssyncpa.u1 $0x0;
	s7 =	sor.u32 $0x1, s5  }
.LBB1_4:
0xe: {  	s16 =	sshll.u32 s13, $0x3;
	s17 =	sand.u32 $0x78, s13  }
0xf: {  	s30 =	sand.u32 $0x7E00, s13;
	s12 =	sshll.u32 s12, $0xF;
	s16 =	sand.u32 $0xC00, s16  }
0x10: {  	[tilespmem:s15+$0x810 ss:$0x81] =	vst.msk $0xffff, v2;
	s31 =	sand.u32 $0x7, s13;
	s16 =	sor.u32 s17, s16;
	s17 =	sadd.s32 s3, s30  }
0x11: {  	[tilespmem:s15+$0x1020 ss:$0x81] =	vst.msk $0xffff, v0;
	s13 =	sshll.u32 s31, $0x12;
	s12 =	sadd.s32 s12, s17;
	s16 =	sshrl.u32 s16, $0x3  }
0x12: {  	[tilespmem:s15+$0x0 ss:$0x81] =	vst.msk $0xffff, v1;
	s13 =	sor.u32 $0x400, s13;
	s12 =	sadd.s32 s16, s12  }
0x13: {  	[hbm4b:s12+s13] =	stream.strided.scatter [tilespmem:s14], [sflag:$0x2], $0x2000, s8, s13, $0x20;
	[tilespmem:$0x8080] =	vst v63  }
.LBB1_5:
0x14: {  	s14 =	sadd.s32 $0x1, s9  }
0x15: {  	s12 =	sadd.s32 $0x1000, s10;
	s16 =	smov.u32 s10;
	p2 =	sgt.s32 s14, $0xC7  }
0x16: {  	s16 =	smov.u32 @p2 s12  }
0x17: {  	s14 =	simm.s32 @p2 $0x0;
	p2 =	sgt.s32 s16, $0xFFF  }
0x18: {  	s16 =	smov.u32 @p2 s2;
	p2 =	sne.s32 s11, s7  }
.Ltmp1:
0x19: {  	p1 =	slt.u32 s11, $0x2;
	(pc) =	sbr.rel @!p2 .LBB1_6-.Ltmp1, $4  }
0x1a: {  	s15 =	simm.s32 @!p1 $0x2  }
0x1b: {  	s13 =	smov.u32 s10;
	p0 =	por !p0, !p0;
	_ =	swait.ge @!p1 [sflag:s15], $0x2000  }
0x1c: {  	s12 =	smov.u32 s9;
	[sflag:s15] =	ssyncset.done @!p1 $0x0;
	s9 =	smov.u32 s14  }
0x1d: {  	s11 =	sadd.s32 $0x1, s11;
	[sflag:s15] =	ssyncadd.s32 @!p1 $0xFFFFE000;
	s10 =	smov.u32 s16  }
.LBB1_1:
0x1e: {  	p1 =	sge.u32 s11, s5  }
0x1f: {  	s14 =	sand.u32 @!p1 $0x1FFFFFF, s9  }
0x20: {  	s15 =	smulhi.u32 @!p1 $0x147AE15, s14;
	_ =	sdelay $0x1  }
0x21: {  	s15 =	smul.u32 @!p1 $0xC8, s15  }
0x22: {  	s16 =	sxor.u32 @!p1 $0xFFFFFFFF, s11;
	s17 =	smul.u32 @!p1 $0xC80, s10  }
0x23: {  	s31 =	sadd.s32 $0xFFFFFFFF, s11;
	s16 =	sshll.u32 @!p1 s16, $0xD;
	s14 =	ssub.s32 @!p1 s14, s15  }
0x24: {  	s15 =	sand.u32 @!p1 $0x2000, s16;
	s16 =	sadd.s32 @!p1 s6, s17;
	s14 =	sshll.u32 @!p1 s14, $0x4  }
0x25: {  	s17 =	simm.s32 @!p1 $0x6400;
	s14 =	sadd.s32 @!p1 s14, s16;
	s16 =	simm.s32 @!p1 $0x40  }
0x26: {  	[tilespmem:s15], [sflag:$0x1] =	stream.strided.gather @!p1 [hbm4b:s14+s16], $0x2000, s17, s16, $0x38;
	[tilespmem:$0x8080] =	vst v63  }
0x27: {  	p1 =	sge.u32 s31, s5  }
.Ltmp2:
0x28: {  	_ = 	snop;
	(pc) =	sbr.rel @p1 .LBB1_5-.Ltmp2, $1  }
0x29: {  	_ =	sdelay $0x3  }
0x2a: {  	s14 =	simm.s32 $0x1  }
0x2b: {  	_ =	swait.ge [sflag:s4], $0x2000;
	s14 =	simm.s32 @!p0 $0x0  }
0x2c: {  	[sflag:s4] =	ssyncset.done $0x0;
	s15 =	sshll.u32 s14, $0xD  }
0x2d: {  	[sflag:s4] =	ssyncadd.s32 $0xFFFFE000;
	s18 =	sor.u32 $0x20, s15  }
0x2e: {  	s14 =	smul.u32 $0x8100, s14;
	v3 =	vld [tilespmem:s18+$0x10]  }
0x2f: {  	s30 =	sand.u32 $0x1, s11;
	v2 =	vld [tilespmem:s18+$0xFFFFFFF0]  }
0x30: {  	s15 =	smul.u32 $0x8100, s30;
	s14 =	sshrl.u32 s14, $0x2;
	v0 =	vld [tilespmem:s18+$0x0]  }
0x31: {  	v1 =	vld [tilespmem:s18+$0xFFFFFFE0];
	s16 =	sor.u32 $0x4000, s14  }
0x32: {  	s31 =	sshrl.u32 s15, $0x2;
	s15 =	sadd.s32 $0x0, s16  }
0x33: {  	s17 =	simm.s32 $0x4;
	s18 =	sadd.s32 $0x40, s18;
	s14 =	sor.u32 $0x4000, s31;
	[tilespmem:s15+$0x1830 ss:$0x81] =	vst.msk $0xffff, v3  }
.LBB1_3:
0x34: {  	v3 =	vld [tilespmem:s18+$0x10];
	p1 =	sne.s32 s17, $0x1FC;
	[tilespmem:s15+$0x810 ss:$0x81] =	vst.msk $0xffff, v2;
	s19 =	smov.u32 s17;
	s17 =	sadd.s32 $0x4, s17  }
.Ltmp3:
0x35: {  	v2 =	vld [tilespmem:s18+$0xFFFFFFF0];
	[tilespmem:s15+$0x1020 ss:$0x81] =	vst.msk $0xffff, v0;
	(pc) =	sbr.rel @p1 .LBB1_3-.Ltmp3, $4  }
0x36: {  	v0 =	vld [tilespmem:s18+$0x0];
	[tilespmem:s15+$0x0 ss:$0x81] =	vst.msk $0xffff, v1  }
0x37: {  	s15 =	sshra.s32 s19, $0x2;
	v1 =	vld [tilespmem:s18+$0xFFFFFFE0]  }
0x38: {  	s15 =	sadd.s32 s15, s16  }
0x39: {  	s18 =	sadd.s32 $0x40, s18;
	[tilespmem:s15+$0x1830 ss:$0x81] =	vst.msk $0xffff, v3  }
.Ltmp4:
0x3a: {  	_ = 	snop;
	(pc) =	sbr.rel .LBB1_4-.Ltmp4, $1  }
0x3b: {  	_ =	sdelay $0x3  }
.LBB1_6:
0x3c: {  	_ =	sfence.sel $0x180000  }
0x3d: {  	s2 =	simm.s32 $0x1;
	[bflag:$0x0] =	sbarrier.arrive $0xFFFF  }
0x3e: {  	s31 =	simm.s32 $0x2;
	[sflag:s2] =	ssyncpa.u1 $0x1  }
0x3f: {  	[sflag:s31] =	ssyncpa.u1 $0x1  }
0x40: {  	p0 =	sne.s32 s0, $0x0;
	_ =	strace $0x9000004A  }
0x41: {  	s0 =	sadd.s32 @!p0 $0x100000, s1;
	[bflag:$0x2] =	sbarrier.arrive $0xFFFF  }
0x42: {  	[sflag:s0] =	ssyncadd.tile.s32 @!p0 $0x1;
	_ =	shalt  }
.Lfunc_end1:
_tile_overlayer_lowered:
.L_overlay_start_2:
0x43: {  	(tag) =	ssettag $0x2  }
0x44: {  	s0 =	rddreg [dreg:$0x0];
	s2 =	stileid.u32  }
0x45: {  	s1 =	rddreg [dreg:$0x1];
	p0 =	sne.s32 s2, $0x0  }
0x46: {  	s3 =	rddreg [dreg:$0x2];
	[bflag:$0x3] =	sbarrier.arrive $0xFFFF;
	s2 =	simm.s32 @!p0 $0x1C01  }
0x47: {  	[timem:s3], [sflag:s2] =	dma.local @!p0 [hbm:s0], s1  }
0x48: {  	s0 =	simm.s32 @!p0 $0x1  }
0x49: {  	_ =	swait.ge @!p0 [sflag:s0], s1  }
0x4a: {  	s1 =	ssub.s32 @!p0 $0x0, s1;
	[sflag:s0] =	ssyncset.done @!p0 $0x0  }
0x4b: {  	[sflag:s0] =	ssyncadd.s32 @!p0 s1  }
0x4c: {  	[bflag:$0x3] =	sbarrier.arrive $0xFFFF  }
0x4d: {  	_ =	shalt  }

</sc_bundles>
